<compile_context>
chip_gen: v7x
topology: tpu7x:2x2x1
jax: 0.10.2.dev20260603
libtpu: 0.0.44.dev20260713+nightly
codegen_flags: <defaults>
</compile_context>

<pallas_src>
import functools

import jax
import jax.numpy as jnp
from jax import lax
from jax.experimental import pallas as pl
from jax.experimental.pallas import tpu as pltpu
from jax.experimental.pallas import tpu_sc as plsc

N = 10000
E = 320000
D = 128
G = 128

NC = 2
NS = 16
NW = NC * NS

CH = 128
NH = 2
HC = 40
NCHUNK = NH * HC
EPAD = NW * NCHUNK * CH
NPAD = 10240
RPW = NPAD // NS
ZB = RPW // 2
OPW = NPAD // NS



def _sc_agg_body(z_hbm, src_hbm, dst_hbm, out_hbm,
                 src_v, dst_v, rows_v, rows_w, agg_sh,
                 sem, sem2, ssem, ssem2):
    cid = lax.axis_index("c")
    sid = lax.axis_index("s")

    zeros16 = jnp.zeros((16,), jnp.float32)

    def zero_body(i, carry):
        for j in range(D // 16):
            rows_v[i, pl.ds(j * 16, 16)] = zeros16
        return carry

    lax.fori_loop(0, CH, zero_body, 0)
    for k in range(RPW // CH):
        pltpu.sync_copy(rows_v, agg_sh.at[pl.ds(sid * RPW + k * CH, CH)])

    plsc.subcore_barrier()

    def drain(buf, s):
        pltpu.make_async_copy(z_hbm.at[pl.ds(0, CH)], buf, s).wait()

    for h in range(NH):
        pltpu.sync_copy(src_hbm.at[cid, sid, h], src_v)
        pltpu.sync_copy(dst_hbm.at[cid, sid, h], dst_v)
        pltpu.async_copy(z_hbm.at[src_v.at[0]], rows_v, sem)
        pltpu.async_copy(z_hbm.at[src_v.at[1]], rows_w, sem2)

        def edge_body(k, carry):
            j = 2 * k
            drain(rows_v, sem)
            pltpu.async_copy(rows_v, agg_sh.at[dst_v.at[j]], ssem, add=True)
            drain(rows_w, sem2)
            pltpu.async_copy(rows_w, agg_sh.at[dst_v.at[j + 1]], ssem2,
                             add=True)
            drain(rows_v, ssem)
            pltpu.async_copy(z_hbm.at[src_v.at[(j + 2) % HC]], rows_v, sem)
            drain(rows_w, ssem2)
            pltpu.async_copy(z_hbm.at[src_v.at[(j + 3) % HC]], rows_w, sem2)
            return carry

        lax.fori_loop(0, HC // 2, edge_body, 0)
        drain(rows_v, sem)
        drain(rows_w, sem2)

    plsc.subcore_barrier()

    pltpu.sync_copy(agg_sh.at[pl.ds(sid * OPW, OPW)],
                    out_hbm.at[cid, pl.ds(sid * OPW, OPW)])


@functools.cache
def _get_sc_agg():
    mesh = plsc.VectorSubcoreMesh(core_axis_name="c", subcore_axis_name="s",
                                  num_cores=NC, num_subcores=NS)
    return pl.kernel(
        _sc_agg_body,
        out_type=jax.ShapeDtypeStruct((NC, NPAD, D), jnp.float32),
        mesh=mesh,
        scratch_types=[
            pltpu.VMEM((HC, CH), jnp.int32),
            pltpu.VMEM((HC, CH), jnp.int32),
            pltpu.VMEM((CH, D), jnp.float32),
            pltpu.VMEM((CH, D), jnp.float32),
            pltpu.VMEM_SHARED((NPAD, D), jnp.float32),
            pltpu.SemaphoreType.DMA,
            pltpu.SemaphoreType.DMA,
            pltpu.SemaphoreType.DMA,
            pltpu.SemaphoreType.DMA,
        ],
    )


def _tc_layer_body(z_ref, a0_ref, a1_ref, w1_ref, b1_ref, w2_ref, b2_ref,
                   gm_ref, bt_ref, out_ref):
    h = z_ref[...] + a0_ref[:N, :] + a1_ref[:N, :]
    h = jnp.maximum(jnp.dot(h, w1_ref[...],
                            preferred_element_type=jnp.float32) + b1_ref[...], 0.0)
    h = jnp.dot(h, w2_ref[...], preferred_element_type=jnp.float32) + b2_ref[...]
    h = jnp.maximum(h, 0.0)
    mean = jnp.mean(h, axis=0, keepdims=True)
    var = jnp.mean((h - mean) ** 2, axis=0, keepdims=True)
    out_ref[...] = (h - mean) * lax.rsqrt(var + 1e-5) * gm_ref[...] + bt_ref[...]


def _tc_layer(z, a0, a1, w1, b1, w2, b2, gm, bt):
    return pl.pallas_call(
        _tc_layer_body,
        out_shape=jax.ShapeDtypeStruct((N, D), jnp.float32),
    )(z, a0, a1, w1, b1, w2, b2, gm, bt)


def _tc_final_body(z1_ref, a0_ref, a1_ref, w1_ref, b1_ref, w2_ref, b2_ref,
                   gm_ref, bt_ref, batch_ref, z2_ref, g1_ref, g2_ref):
    h = z1_ref[...] + a0_ref[:N, :] + a1_ref[:N, :]
    h = jnp.maximum(jnp.dot(h, w1_ref[...],
                            preferred_element_type=jnp.float32) + b1_ref[...], 0.0)
    h = jnp.dot(h, w2_ref[...], preferred_element_type=jnp.float32) + b2_ref[...]
    h = jnp.maximum(h, 0.0)
    mean = jnp.mean(h, axis=0, keepdims=True)
    var = jnp.mean((h - mean) ** 2, axis=0, keepdims=True)
    z2 = (h - mean) * lax.rsqrt(var + 1e-5) * gm_ref[...] + bt_ref[...]
    z2_ref[...] = z2
    gid = lax.broadcasted_iota(jnp.int32, (G, 1), 0)
    onehot = (batch_ref[...] == gid).astype(jnp.float32)
    g1_ref[...] = jnp.dot(onehot, z1_ref[...], preferred_element_type=jnp.float32)
    g2_ref[...] = jnp.dot(onehot, z2, preferred_element_type=jnp.float32)


def _tc_final(z1, a0, a1, w1, b1, w2, b2, gm, bt, batch2d):
    return pl.pallas_call(
        _tc_final_body,
        out_shape=(
            jax.ShapeDtypeStruct((N, D), jnp.float32),
            jax.ShapeDtypeStruct((G, D), jnp.float32),
            jax.ShapeDtypeStruct((G, D), jnp.float32),
        ),
    )(z1, a0, a1, w1, b1, w2, b2, gm, bt, batch2d)


@jax.jit
def kernel(x, edge_index, batch, W1_0, b1_0, W2_0, b2_0, gamma_0, beta_0,
           W1_1, b1_1, W2_1, b2_1, gamma_1, beta_1):
    nchunks = NC * NS * NH * HC
    rpc = E // nchunks
    tpc = CH - rpc
    fill = jnp.arange(nchunks * tpc, dtype=jnp.int32)
    trash = N + fill % (NPAD - N)
    src = jnp.concatenate(
        [edge_index[0].reshape(nchunks, rpc),
         (fill * 131 % N).reshape(nchunks, tpc)], axis=1)
    dst = jnp.concatenate(
        [edge_index[1].reshape(nchunks, rpc),
         trash.reshape(nchunks, tpc)], axis=1)
    src = src.reshape(NC, NS, NH, HC, CH)
    dst = dst.reshape(NC, NS, NH, HC, CH)

    b1_0r, b2_0r = b1_0.reshape(1, D), b2_0.reshape(1, D)
    g0r, be0r = gamma_0.reshape(1, D), beta_0.reshape(1, D)
    b1_1r, b2_1r = b1_1.reshape(1, D), b2_1.reshape(1, D)
    g1r, be1r = gamma_1.reshape(1, D), beta_1.reshape(1, D)
    batch2d = batch.reshape(1, N)

    agg0 = _get_sc_agg()(x, src, dst)
    z1 = _tc_layer(x, agg0[0], agg0[1], W1_0, b1_0r, W2_0, b2_0r, g0r, be0r)
    agg1 = _get_sc_agg()(z1, src, dst)
    z2, g1, g2 = _tc_final(z1, agg1[0], agg1[1], W1_1, b1_1r, W2_1, b2_1r,
                           g1r, be1r, batch2d)
    return (jnp.concatenate([z1, z2], axis=1), jnp.concatenate([g1, g2], axis=1))

# --- scband reference (transcript-rebuilt; emitter-appended) ---
"""Pipeline reference for scband-gconv-33964601377480 (READ-ONLY COPY).

The authoritative reference and input builder live on the scoring server;
editing this copy changes nothing except your own understanding.
"""

import jax, jax.numpy as jnp
import numpy as np

N = 10000
E = 320000
D = 128
H = 128
L = 2
G = 128


def setup_inputs(seed: int = 0) -> dict:
    key = jax.random.key(seed)
    ks = jax.random.split(key, 16)
    inp = {}
    inp['x'] = jax.random.normal(ks[0], (N, D), dtype=jnp.float32)
    inp['edge_index'] = jax.random.randint(ks[1], (2, E), 0, N, dtype=jnp.int32)
    inp['batch'] = jnp.sort(jax.random.randint(ks[2], (N,), 0, G, dtype=jnp.int32))
    # GIN layer 0 MLP: Linear(D,H), ReLU, Linear(H,H); BN params
    inp['W1_0'] = jax.random.normal(ks[3], (D, H), dtype=jnp.float32) * 0.05
    inp['b1_0'] = jnp.zeros((H,), dtype=jnp.float32)
    inp['W2_0'] = jax.random.normal(ks[4], (H, H), dtype=jnp.float32) * 0.05
    inp['b2_0'] = jnp.zeros((H,), dtype=jnp.float32)
    inp['gamma_0'] = jnp.ones((H,), dtype=jnp.float32)
    inp['beta_0'] = jnp.zeros((H,), dtype=jnp.float32)
    # GIN layer 1 MLP: Linear(H,H), ReLU, Linear(H,H); BN params
    inp['W1_1'] = jax.random.normal(ks[5], (H, H), dtype=jnp.float32) * 0.05
    inp['b1_1'] = jnp.zeros((H,), dtype=jnp.float32)
    inp['W2_1'] = jax.random.normal(ks[6], (H, H), dtype=jnp.float32) * 0.05
    inp['b2_1'] = jnp.zeros((H,), dtype=jnp.float32)
    inp['gamma_1'] = jnp.ones((H,), dtype=jnp.float32)
    inp['beta_1'] = jnp.zeros((H,), dtype=jnp.float32)
    return inp


def _gin_layer(z, edge_index, W1, b1, W2, b2, gamma, beta):
    src = edge_index[0]
    dst = edge_index[1]
    # GINConv (eps=0, sum aggregation): (1+eps)*x + sum_{j in N(i)} x_j
    agg = jnp.zeros_like(z).at[dst].add(z[src])
    h = z + agg
    # nn.Sequential(Linear, ReLU, Linear)
    h = jnp.maximum(h @ W1 + b1, 0.0)
    h = h @ W2 + b2
    # F.relu after conv
    h = jnp.maximum(h, 0.0)
    # BatchNorm1d in training mode (batch statistics, biased variance)
    mean = jnp.mean(h, axis=0)
    var = jnp.mean((h - mean) ** 2, axis=0)
    h = (h - mean) / jnp.sqrt(var + 1e-5) * gamma + beta
    return h


def reference(x, edge_index, batch, W1_0, b1_0, W2_0, b2_0, gamma_0, beta_0,
              W1_1, b1_1, W2_1, b2_1, gamma_1, beta_1):
    z = x
    zs = []
    z = _gin_layer(z, edge_index, W1_0, b1_0, W2_0, b2_0, gamma_0, beta_0)
    zs.append(z)
    z = _gin_layer(z, edge_index, W1_1, b1_1, W2_1, b2_1, gamma_1, beta_1)
    zs.append(z)
    gs = [jax.ops.segment_sum(zz, batch, num_segments=G) for zz in zs]
    z_cat = jnp.concatenate(zs, axis=1)
    g_cat = jnp.concatenate(gs, axis=1)
    return (z_cat, g_cat)

if __name__ == "__main__":
    import jax
    _d = setup_inputs()
    print(jax.jit(kernel)(*tuple(_d.values())))

</pallas_src>

<mosaic_0001>
#map = affine_map<(d0, d1) -> (0, 0)>
#map1 = affine_map<(d0, d1) -> (0, 0, 0, 0, 0)>
#map2 = affine_map<(d0, d1) -> (0, 0, 0)>
module attributes {stable_mosaic.version = 14 : i64} {
  func.func @_sc_agg_body(%arg0: i32, %arg1: i32, %arg2: memref<10000x128xf32, #tpu.memory_space<hbm>>, %arg3: memref<2x16x2x40x128xi32, #tpu.memory_space<hbm>>, %arg4: memref<2x16x2x40x128xi32, #tpu.memory_space<hbm>>, %arg5: memref<2x10240x128xf32, #tpu.memory_space<hbm>>, %arg6: memref<40x128xi32, #tpu.memory_space<vmem>>, %arg7: memref<40x128xi32, #tpu.memory_space<vmem>>, %arg8: memref<128x128xf32, #tpu.memory_space<vmem>>, %arg9: memref<128x128xf32, #tpu.memory_space<vmem>>, %arg10: memref<10240x128xf32, #tpu.memory_space<vmem_shared>>, %arg11: memref<!tpu.dma_semaphore, #tpu.memory_space<semaphore_mem>>, %arg12: memref<!tpu.dma_semaphore, #tpu.memory_space<semaphore_mem>>, %arg13: memref<!tpu.dma_semaphore, #tpu.memory_space<semaphore_mem>>, %arg14: memref<!tpu.dma_semaphore, #tpu.memory_space<semaphore_mem>>) attributes {dimension_semantics = [#tpu.dimension_semantics<core_parallel>, #tpu.dimension_semantics<subcore_parallel>], iteration_bounds = array<i64: 2, 16>, scalar_prefetch = 0 : i64, scratch_operands = 9 : i64, tpu.core_type = #tpu.core_type<sc_vector_subcore>, window_params = [{transform_indices = #map}, {transform_indices = #map1}, {transform_indices = #map1}, {transform_indices = #map2}]} {
    %broadcast_in_dim3A = arith.constant 0.000000e+00 : f32
    %broadcast_in_dim3A_0 = vector.broadcast %broadcast_in_dim3A : f32 to vector<16xf32>
    %scan3A = arith.constant 0 : i32
    %scan3A_1 = arith.constant 0 : i32
    %scan3A_2 = arith.constant 128 : i32
    %scan3A_3 = arith.addi %scan3A_1, %scan3A_2 : i32
    %scan3A_4 = arith.constant 1 : i32
    scf.for %scan3A_94 = %scan3A_1 to %scan3A_3 step %scan3A_4  : i32 {
      %swap3A = arith.index_cast %scan3A_94 : i32 to index
      %swap3A_95 = arith.constant 0 : index
      %swap3A_96 = tpu.vector_load %arg8[%swap3A, %swap3A_95] {strides = array<i32>} : memref<128x128xf32, #tpu.memory_space<vmem>>, vector<1x16xf32>,
      %swap3A_97 = vector.shape_cast %swap3A_96 : vector<1x16xf32> to vector<16xf32>
      %swap3A_98 = vector.shape_cast %broadcast_in_dim3A_0 : vector<16xf32> to vector<1x16xf32>
      tpu.vector_store %arg8[%swap3A, %swap3A_95], %swap3A_98 {strides = array<i32>} : memref<128x128xf32, #tpu.memory_space<vmem>>, vector<1x16xf32>,
      %swap3A_99 = arith.index_cast %scan3A_94 : i32 to index
      %swap3A_100 = arith.constant 16 : index
      %swap3A_101 = tpu.vector_load %arg8[%swap3A_99, %swap3A_100] {strides = array<i32>} : memref<128x128xf32, #tpu.memory_space<vmem>>, vector<1x16xf32>,
      %swap3A_102 = vector.shape_cast %swap3A_101 : vector<1x16xf32> to vector<16xf32>
      %swap3A_103 = vector.shape_cast %broadcast_in_dim3A_0 : vector<16xf32> to vector<1x16xf32>
      tpu.vector_store %arg8[%swap3A_99, %swap3A_100], %swap3A_103 {strides = array<i32>} : memref<128x128xf32, #tpu.memory_space<vmem>>, vector<1x16xf32>,
      %swap3A_104 = arith.index_cast %scan3A_94 : i32 to index
      %swap3A_105 = arith.constant 32 : index
      %swap3A_106 = tpu.vector_load %arg8[%swap3A_104, %swap3A_105] {strides = array<i32>} : memref<128x128xf32, #tpu.memory_space<vmem>>, vector<1x16xf32>,
      %swap3A_107 = vector.shape_cast %swap3A_106 : vector<1x16xf32> to vector<16xf32>
      %swap3A_108 = vector.shape_cast %broadcast_in_dim3A_0 : vector<16xf32> to vector<1x16xf32>
      tpu.vector_store %arg8[%swap3A_104, %swap3A_105], %swap3A_108 {strides = array<i32>} : memref<128x128xf32, #tpu.memory_space<vmem>>, vector<1x16xf32>,
      %swap3A_109 = arith.index_cast %scan3A_94 : i32 to index
      %swap3A_110 = arith.constant 48 : index
      %swap3A_111 = tpu.vector_load %arg8[%swap3A_109, %swap3A_110] {strides = array<i32>} : memref<128x128xf32, #tpu.memory_space<vmem>>, vector<1x16xf32>,
      %swap3A_112 = vector.shape_cast %swap3A_111 : vector<1x16xf32> to vector<16xf32>
      %swap3A_113 = vector.shape_cast %broadcast_in_dim3A_0 : vector<16xf32> to vector<1x16xf32>
      tpu.vector_store %arg8[%swap3A_109, %swap3A_110], %swap3A_113 {strides = array<i32>} : memref<128x128xf32, #tpu.memory_space<vmem>>, vector<1x16xf32>,
      %swap3A_114 = arith.index_cast %scan3A_94 : i32 to index
      %swap3A_115 = arith.constant 64 : index
      %swap3A_116 = tpu.vector_load %arg8[%swap3A_114, %swap3A_115] {strides = array<i32>} : memref<128x128xf32, #tpu.memory_space<vmem>>, vector<1x16xf32>,
      %swap3A_117 = vector.shape_cast %swap3A_116 : vector<1x16xf32> to vector<16xf32>
      %swap3A_118 = vector.shape_cast %broadcast_in_dim3A_0 : vector<16xf32> to vector<1x16xf32>
      tpu.vector_store %arg8[%swap3A_114, %swap3A_115], %swap3A_118 {strides = array<i32>} : memref<128x128xf32, #tpu.memory_space<vmem>>, vector<1x16xf32>,
      %swap3A_119 = arith.index_cast %scan3A_94 : i32 to index
      %swap3A_120 = arith.constant 80 : index
      %swap3A_121 = tpu.vector_load %arg8[%swap3A_119, %swap3A_120] {strides = array<i32>} : memref<128x128xf32, #tpu.memory_space<vmem>>, vector<1x16xf32>,
      %swap3A_122 = vector.shape_cast %swap3A_121 : vector<1x16xf32> to vector<16xf32>
      %swap3A_123 = vector.shape_cast %broadcast_in_dim3A_0 : vector<16xf32> to vector<1x16xf32>
      tpu.vector_store %arg8[%swap3A_119, %swap3A_120], %swap3A_123 {strides = array<i32>} : memref<128x128xf32, #tpu.memory_space<vmem>>, vector<1x16xf32>,
      %swap3A_124 = arith.index_cast %scan3A_94 : i32 to index
      %swap3A_125 = arith.constant 96 : index
      %swap3A_126 = tpu.vector_load %arg8[%swap3A_124, %swap3A_125] {strides = array<i32>} : memref<128x128xf32, #tpu.memory_space<vmem>>, vector<1x16xf32>,
      %swap3A_127 = vector.shape_cast %swap3A_126 : vector<1x16xf32> to vector<16xf32>
      %swap3A_128 = vector.shape_cast %broadcast_in_dim3A_0 : vector<16xf32> to vector<1x16xf32>
      tpu.vector_store %arg8[%swap3A_124, %swap3A_125], %swap3A_128 {strides = array<i32>} : memref<128x128xf32, #tpu.memory_space<vmem>>, vector<1x16xf32>,
      %swap3A_129 = arith.index_cast %scan3A_94 : i32 to index
      %swap3A_130 = arith.constant 112 : index
      %swap3A_131 = tpu.vector_load %arg8[%swap3A_129, %swap3A_130] {strides = array<i32>} : memref<128x128xf32, #tpu.memory_space<vmem>>, vector<1x16xf32>,
      %swap3A_132 = vector.shape_cast %swap3A_131 : vector<1x16xf32> to vector<16xf32>
      %swap3A_133 = vector.shape_cast %broadcast_in_dim3A_0 : vector<16xf32> to vector<1x16xf32>
      tpu.vector_store %arg8[%swap3A_129, %swap3A_130], %swap3A_133 {strides = array<i32>} : memref<128x128xf32, #tpu.memory_space<vmem>>, vector<1x16xf32>,
    }
    %scan3A_5 = arith.constant 128 : i32
    %mul3A = arith.constant 640 : i32
    %mul3A_6 = arith.muli %arg1, %mul3A : i32
    %add3A = arith.constant 0 : i32
    %add3A_7 = arith.addi %mul3A_6, %add3A : i32
    "tpu.region"() ({
      %run_scoped3A_94 = tpu.sem_alloc : memref<!tpu.dma_semaphore, #tpu.memory_space<semaphore_mem>>
      %dma_start3A_95 = arith.constant 0 : i32
      %dma_start3A_96 = tpu.memref_slice %arg10[%add3A_7, %dma_start3A_95] : memref<10240x128xf32, #tpu.memory_space<vmem_shared>> -> memref<128x128xf32, #tpu.memory_space<vmem_shared>>
      %dma_start3A_97 = arith.constant 0 : i32
      %dma_start3A_98 = tpu.memref_slice %arg10[%add3A_7, %dma_start3A_97] : memref<10240x128xf32, #tpu.memory_space<vmem_shared>> -> memref<128x128xf32, #tpu.memory_space<vmem_shared>>
      tpu.enqueue_dma source(%arg8 : memref<128x128xf32, #tpu.memory_space<vmem>>) target(%dma_start3A_98 : memref<128x128xf32, #tpu.memory_space<vmem_shared>>) target_semaphore(%run_scoped3A_94 : memref<!tpu.dma_semaphore, #tpu.memory_space<semaphore_mem>>)
      %dma_wait3A_99 = arith.constant 0 : i32
      %dma_wait3A_100 = tpu.memref_slice %arg10[%add3A_7, %dma_wait3A_99] : memref<10240x128xf32, #tpu.memory_space<vmem_shared>> -> memref<128x128xf32, #tpu.memory_space<vmem_shared>>
      %dma_wait3A_101 = arith.constant 0 : i32
      %dma_wait3A_102 = tpu.memref_slice %arg10[%add3A_7, %dma_wait3A_101] : memref<10240x128xf32, #tpu.memory_space<vmem_shared>> -> memref<128x128xf32, #tpu.memory_space<vmem_shared>>
      tpu.wait_dma2 semaphore(%run_scoped3A_94 : memref<!tpu.dma_semaphore, #tpu.memory_space<semaphore_mem>>) src(%arg8 : memref<128x128xf32, #tpu.memory_space<vmem>>) dst(%dma_wait3A_102 : memref<128x128xf32, #tpu.memory_space<vmem_shared>>)
      tpu.yield
    }) : () -> ()
    %mul3A_8 = arith.constant 640 : i32
    %mul3A_9 = arith.muli %arg1, %mul3A_8 : i32
    %add3A_10 = arith.constant 128 : i32
    %add3A_11 = arith.addi %mul3A_9, %add3A_10 : i32
    "tpu.region"() ({
      %run_scoped3A_94 = tpu.sem_alloc : memref<!tpu.dma_semaphore, #tpu.memory_space<semaphore_mem>>
      %dma_start3A_95 = arith.constant 0 : i32
      %dma_start3A_96 = tpu.memref_slice %arg10[%add3A_11, %dma_start3A_95] : memref<10240x128xf32, #tpu.memory_space<vmem_shared>> -> memref<128x128xf32, #tpu.memory_space<vmem_shared>>
      %dma_start3A_97 = arith.constant 0 : i32
      %dma_start3A_98 = tpu.memref_slice %arg10[%add3A_11, %dma_start3A_97] : memref<10240x128xf32, #tpu.memory_space<vmem_shared>> -> memref<128x128xf32, #tpu.memory_space<vmem_shared>>
      tpu.enqueue_dma source(%arg8 : memref<128x128xf32, #tpu.memory_space<vmem>>) target(%dma_start3A_98 : memref<128x128xf32, #tpu.memory_space<vmem_shared>>) target_semaphore(%run_scoped3A_94 : memref<!tpu.dma_semaphore, #tpu.memory_space<semaphore_mem>>)
      %dma_wait3A_99 = arith.constant 0 : i32
      %dma_wait3A_100 = tpu.memref_slice %arg10[%add3A_11, %dma_wait3A_99] : memref<10240x128xf32, #tpu.memory_space<vmem_shared>> -> memref<128x128xf32, #tpu.memory_space<vmem_shared>>
      %dma_wait3A_101 = arith.constant 0 : i32
      %dma_wait3A_102 = tpu.memref_slice %arg10[%add3A_11, %dma_wait3A_101] : memref<10240x128xf32, #tpu.memory_space<vmem_shared>> -> memref<128x128xf32, #tpu.memory_space<vmem_shared>>
      tpu.wait_dma2 semaphore(%run_scoped3A_94 : memref<!tpu.dma_semaphore, #tpu.memory_space<semaphore_mem>>) src(%arg8 : memref<128x128xf32, #tpu.memory_space<vmem>>) dst(%dma_wait3A_102 : memref<128x128xf32, #tpu.memory_space<vmem_shared>>)
      tpu.yield
    }) : () -> ()
    %mul3A_12 = arith.constant 640 : i32
    %mul3A_13 = arith.muli %arg1, %mul3A_12 : i32
    %add3A_14 = arith.constant 256 : i32
    %add3A_15 = arith.addi %mul3A_13, %add3A_14 : i32
    "tpu.region"() ({
      %run_scoped3A_94 = tpu.sem_alloc : memref<!tpu.dma_semaphore, #tpu.memory_space<semaphore_mem>>
      %dma_start3A_95 = arith.constant 0 : i32
      %dma_start3A_96 = tpu.memref_slice %arg10[%add3A_15, %dma_start3A_95] : memref<10240x128xf32, #tpu.memory_space<vmem_shared>> -> memref<128x128xf32, #tpu.memory_space<vmem_shared>>
      %dma_start3A_97 = arith.constant 0 : i32
      %dma_start3A_98 = tpu.memref_slice %arg10[%add3A_15, %dma_start3A_97] : memref<10240x128xf32, #tpu.memory_space<vmem_shared>> -> memref<128x128xf32, #tpu.memory_space<vmem_shared>>
      tpu.enqueue_dma source(%arg8 : memref<128x128xf32, #tpu.memory_space<vmem>>) target(%dma_start3A_98 : memref<128x128xf32, #tpu.memory_space<vmem_shared>>) target_semaphore(%run_scoped3A_94 : memref<!tpu.dma_semaphore, #tpu.memory_space<semaphore_mem>>)
      %dma_wait3A_99 = arith.constant 0 : i32
      %dma_wait3A_100 = tpu.memref_slice %arg10[%add3A_15, %dma_wait3A_99] : memref<10240x128xf32, #tpu.memory_space<vmem_shared>> -> memref<128x128xf32, #tpu.memory_space<vmem_shared>>
      %dma_wait3A_101 = arith.constant 0 : i32
      %dma_wait3A_102 = tpu.memref_slice %arg10[%add3A_15, %dma_wait3A_101] : memref<10240x128xf32, #tpu.memory_space<vmem_shared>> -> memref<128x128xf32, #tpu.memory_space<vmem_shared>>
      tpu.wait_dma2 semaphore(%run_scoped3A_94 : memref<!tpu.dma_semaphore, #tpu.memory_space<semaphore_mem>>) src(%arg8 : memref<128x128xf32, #tpu.memory_space<vmem>>) dst(%dma_wait3A_102 : memref<128x128xf32, #tpu.memory_space<vmem_shared>>)
      tpu.yield
    }) : () -> ()
    %mul3A_16 = arith.constant 640 : i32
    %mul3A_17 = arith.muli %arg1, %mul3A_16 : i32
    %add3A_18 = arith.constant 384 : i32
    %add3A_19 = arith.addi %mul3A_17, %add3A_18 : i32
    "tpu.region"() ({
      %run_scoped3A_94 = tpu.sem_alloc : memref<!tpu.dma_semaphore, #tpu.memory_space<semaphore_mem>>
      %dma_start3A_95 = arith.constant 0 : i32
      %dma_start3A_96 = tpu.memref_slice %arg10[%add3A_19, %dma_start3A_95] : memref<10240x128xf32, #tpu.memory_space<vmem_shared>> -> memref<128x128xf32, #tpu.memory_space<vmem_shared>>
      %dma_start3A_97 = arith.constant 0 : i32
      %dma_start3A_98 = tpu.memref_slice %arg10[%add3A_19, %dma_start3A_97] : memref<10240x128xf32, #tpu.memory_space<vmem_shared>> -> memref<128x128xf32, #tpu.memory_space<vmem_shared>>
      tpu.enqueue_dma source(%arg8 : memref<128x128xf32, #tpu.memory_space<vmem>>) target(%dma_start3A_98 : memref<128x128xf32, #tpu.memory_space<vmem_shared>>) target_semaphore(%run_scoped3A_94 : memref<!tpu.dma_semaphore, #tpu.memory_space<semaphore_mem>>)
      %dma_wait3A_99 = arith.constant 0 : i32
      %dma_wait3A_100 = tpu.memref_slice %arg10[%add3A_19, %dma_wait3A_99] : memref<10240x128xf32, #tpu.memory_space<vmem_shared>> -> memref<128x128xf32, #tpu.memory_space<vmem_shared>>
      %dma_wait3A_101 = arith.constant 0 : i32
      %dma_wait3A_102 = tpu.memref_slice %arg10[%add3A_19, %dma_wait3A_101] : memref<10240x128xf32, #tpu.memory_space<vmem_shared>> -> memref<128x128xf32, #tpu.memory_space<vmem_shared>>
      tpu.wait_dma2 semaphore(%run_scoped3A_94 : memref<!tpu.dma_semaphore, #tpu.memory_space<semaphore_mem>>) src(%arg8 : memref<128x128xf32, #tpu.memory_space<vmem>>) dst(%dma_wait3A_102 : memref<128x128xf32, #tpu.memory_space<vmem_shared>>)
      tpu.yield
    }) : () -> ()
    %mul3A_20 = arith.constant 640 : i32
    %mul3A_21 = arith.muli %arg1, %mul3A_20 : i32
    %add3A_22 = arith.constant 512 : i32
    %add3A_23 = arith.addi %mul3A_21, %add3A_22 : i32
    "tpu.region"() ({
      %run_scoped3A_94 = tpu.sem_alloc : memref<!tpu.dma_semaphore, #tpu.memory_space<semaphore_mem>>
      %dma_start3A_95 = arith.constant 0 : i32
      %dma_start3A_96 = tpu.memref_slice %arg10[%add3A_23, %dma_start3A_95] : memref<10240x128xf32, #tpu.memory_space<vmem_shared>> -> memref<128x128xf32, #tpu.memory_space<vmem_shared>>
      %dma_start3A_97 = arith.constant 0 : i32
      %dma_start3A_98 = tpu.memref_slice %arg10[%add3A_23, %dma_start3A_97] : memref<10240x128xf32, #tpu.memory_space<vmem_shared>> -> memref<128x128xf32, #tpu.memory_space<vmem_shared>>
      tpu.enqueue_dma source(%arg8 : memref<128x128xf32, #tpu.memory_space<vmem>>) target(%dma_start3A_98 : memref<128x128xf32, #tpu.memory_space<vmem_shared>>) target_semaphore(%run_scoped3A_94 : memref<!tpu.dma_semaphore, #tpu.memory_space<semaphore_mem>>)
      %dma_wait3A_99 = arith.constant 0 : i32
      %dma_wait3A_100 = tpu.memref_slice %arg10[%add3A_23, %dma_wait3A_99] : memref<10240x128xf32, #tpu.memory_space<vmem_shared>> -> memref<128x128xf32, #tpu.memory_space<vmem_shared>>
      %dma_wait3A_101 = arith.constant 0 : i32
      %dma_wait3A_102 = tpu.memref_slice %arg10[%add3A_23, %dma_wait3A_101] : memref<10240x128xf32, #tpu.memory_space<vmem_shared>> -> memref<128x128xf32, #tpu.memory_space<vmem_shared>>
      tpu.wait_dma2 semaphore(%run_scoped3A_94 : memref<!tpu.dma_semaphore, #tpu.memory_space<semaphore_mem>>) src(%arg8 : memref<128x128xf32, #tpu.memory_space<vmem>>) dst(%dma_wait3A_102 : memref<128x128xf32, #tpu.memory_space<vmem_shared>>)
      tpu.yield
    }) : () -> ()
    %barrier3A = arith.constant 0 : index
    tpu.barrier barrier_id(%barrier3A)
    %run_scoped3A = arith.constant 0 : i32
    "tpu.region"() ({
      %run_scoped3A_94 = tpu.sem_alloc : memref<!tpu.dma_semaphore, #tpu.memory_space<semaphore_mem>>
      %dma_start3A_95 = arith.constant 0 : i32
      %dma_start3A_96 = arith.constant 0 : i32
      %dma_start3A_97 = tpu.memref_slice %arg3[%arg0, %arg1, %run_scoped3A, %dma_start3A_95, %dma_start3A_96] : memref<2x16x2x40x128xi32, #tpu.memory_space<hbm>> -> memref<1x1x1x40x128xi32, #tpu.memory_space<hbm>>
      %dma_start3A_98 = tpu.memref_squeeze %dma_start3A_97 : memref<1x1x1x40x128xi32, #tpu.memory_space<hbm>> -> memref<40x128xi32, #tpu.memory_space<hbm>>
      %dma_start3A_99 = arith.constant 0 : i32
      %dma_start3A_100 = arith.constant 0 : i32
      %dma_start3A_101 = tpu.memref_slice %arg3[%arg0, %arg1, %run_scoped3A, %dma_start3A_99, %dma_start3A_100] : memref<2x16x2x40x128xi32, #tpu.memory_space<hbm>> -> memref<1x1x1x40x128xi32, #tpu.memory_space<hbm>>
      %dma_start3A_102 = tpu.memref_squeeze %dma_start3A_101 : memref<1x1x1x40x128xi32, #tpu.memory_space<hbm>> -> memref<40x128xi32, #tpu.memory_space<hbm>>
      tpu.enqueue_dma source(%dma_start3A_102 : memref<40x128xi32, #tpu.memory_space<hbm>>) target(%arg6 : memref<40x128xi32, #tpu.memory_space<vmem>>) target_semaphore(%run_scoped3A_94 : memref<!tpu.dma_semaphore, #tpu.memory_space<semaphore_mem>>)
      %dma_wait3A_103 = arith.constant 0 : i32
      %dma_wait3A_104 = arith.constant 0 : i32
      %dma_wait3A_105 = tpu.memref_slice %arg3[%arg0, %arg1, %run_scoped3A, %dma_wait3A_103, %dma_wait3A_104] : memref<2x16x2x40x128xi32, #tpu.memory_space<hbm>> -> memref<1x1x1x40x128xi32, #tpu.memory_space<hbm>>
      %dma_wait3A_106 = tpu.memref_squeeze %dma_wait3A_105 : memref<1x1x1x40x128xi32, #tpu.memory_space<hbm>> -> memref<40x128xi32, #tpu.memory_space<hbm>>
      %dma_wait3A_107 = arith.constant 0 : i32
      %dma_wait3A_108 = arith.constant 0 : i32
      %dma_wait3A_109 = tpu.memref_slice %arg3[%arg0, %arg1, %run_scoped3A, %dma_wait3A_107, %dma_wait3A_108] : memref<2x16x2x40x128xi32, #tpu.memory_space<hbm>> -> memref<1x1x1x40x128xi32, #tpu.memory_space<hbm>>
      %dma_wait3A_110 = tpu.memref_squeeze %dma_wait3A_109 : memref<1x1x1x40x128xi32, #tpu.memory_space<hbm>> -> memref<40x128xi32, #tpu.memory_space<hbm>>
      tpu.wait_dma2 semaphore(%run_scoped3A_94 : memref<!tpu.dma_semaphore, #tpu.memory_space<semaphore_mem>>) src(%dma_wait3A_110 : memref<40x128xi32, #tpu.memory_space<hbm>>) dst(%arg6 : memref<40x128xi32, #tpu.memory_space<vmem>>)
      tpu.yield
    }) : () -> ()
    %run_scoped3A_24 = arith.constant 0 : i32
    "tpu.region"() ({
      %run_scoped3A_94 = tpu.sem_alloc : memref<!tpu.dma_semaphore, #tpu.memory_space<semaphore_mem>>
      %dma_start3A_95 = arith.constant 0 : i32
      %dma_start3A_96 = arith.constant 0 : i32
      %dma_start3A_97 = tpu.memref_slice %arg4[%arg0, %arg1, %run_scoped3A_24, %dma_start3A_95, %dma_start3A_96] : memref<2x16x2x40x128xi32, #tpu.memory_space<hbm>> -> memref<1x1x1x40x128xi32, #tpu.memory_space<hbm>>
      %dma_start3A_98 = tpu.memref_squeeze %dma_start3A_97 : memref<1x1x1x40x128xi32, #tpu.memory_space<hbm>> -> memref<40x128xi32, #tpu.memory_space<hbm>>
      %dma_start3A_99 = arith.constant 0 : i32
      %dma_start3A_100 = arith.constant 0 : i32
      %dma_start3A_101 = tpu.memref_slice %arg4[%arg0, %arg1, %run_scoped3A_24, %dma_start3A_99, %dma_start3A_100] : memref<2x16x2x40x128xi32, #tpu.memory_space<hbm>> -> memref<1x1x1x40x128xi32, #tpu.memory_space<hbm>>
      %dma_start3A_102 = tpu.memref_squeeze %dma_start3A_101 : memref<1x1x1x40x128xi32, #tpu.memory_space<hbm>> -> memref<40x128xi32, #tpu.memory_space<hbm>>
      tpu.enqueue_dma source(%dma_start3A_102 : memref<40x128xi32, #tpu.memory_space<hbm>>) target(%arg7 : memref<40x128xi32, #tpu.memory_space<vmem>>) target_semaphore(%run_scoped3A_94 : memref<!tpu.dma_semaphore, #tpu.memory_space<semaphore_mem>>)
      %dma_wait3A_103 = arith.constant 0 : i32
      %dma_wait3A_104 = arith.constant 0 : i32
      %dma_wait3A_105 = tpu.memref_slice %arg4[%arg0, %arg1, %run_scoped3A_24, %dma_wait3A_103, %dma_wait3A_104] : memref<2x16x2x40x128xi32, #tpu.memory_space<hbm>> -> memref<1x1x1x40x128xi32, #tpu.memory_space<hbm>>
      %dma_wait3A_106 = tpu.memref_squeeze %dma_wait3A_105 : memref<1x1x1x40x128xi32, #tpu.memory_space<hbm>> -> memref<40x128xi32, #tpu.memory_space<hbm>>
      %dma_wait3A_107 = arith.constant 0 : i32
      %dma_wait3A_108 = arith.constant 0 : i32
      %dma_wait3A_109 = tpu.memref_slice %arg4[%arg0, %arg1, %run_scoped3A_24, %dma_wait3A_107, %dma_wait3A_108] : memref<2x16x2x40x128xi32, #tpu.memory_space<hbm>> -> memref<1x1x1x40x128xi32, #tpu.memory_space<hbm>>
      %dma_wait3A_110 = tpu.memref_squeeze %dma_wait3A_109 : memref<1x1x1x40x128xi32, #tpu.memory_space<hbm>> -> memref<40x128xi32, #tpu.memory_space<hbm>>
      tpu.wait_dma2 semaphore(%run_scoped3A_94 : memref<!tpu.dma_semaphore, #tpu.memory_space<semaphore_mem>>) src(%dma_wait3A_110 : memref<40x128xi32, #tpu.memory_space<hbm>>) dst(%arg7 : memref<40x128xi32, #tpu.memory_space<vmem>>)
      tpu.yield
    }) : () -> ()
    %dma_start3A = arith.constant 0 : i32
    %dma_start3A_25 = arith.constant 0 : i32
    %dma_start3A_26 = tpu.memref_slice %arg6[%dma_start3A, %dma_start3A_25] : memref<40x128xi32, #tpu.memory_space<vmem>> -> memref<1x128xi32, #tpu.memory_space<vmem>>
    %dma_start3A_27 = tpu.memref_squeeze %dma_start3A_26 : memref<1x128xi32, #tpu.memory_space<vmem>> -> memref<128xi32, #tpu.memory_space<vmem>>
    %dma_start3A_28 = arith.constant 0 : i32
    %dma_start3A_29 = arith.constant 0 : i32
    %dma_start3A_30 = tpu.memref_slice %arg2[%dma_start3A_28, %dma_start3A_29] : memref<10000x128xf32, #tpu.memory_space<hbm>> -> memref<10000x128xf32, #tpu.memory_space<hbm>>
    tpu.enqueue_indirect_dma source(%dma_start3A_30 : memref<10000x128xf32, #tpu.memory_space<hbm>>) target(%arg8 : memref<128x128xf32, #tpu.memory_space<vmem>>) offsets(%dma_start3A_27 : memref<128xi32, #tpu.memory_space<vmem>>) semaphore(%arg11 : memref<!tpu.dma_semaphore, #tpu.memory_space<semaphore_mem>>)
    %dma_start3A_31 = arith.constant 1 : i32
    %dma_start3A_32 = arith.constant 0 : i32
    %dma_start3A_33 = tpu.memref_slice %arg6[%dma_start3A_31, %dma_start3A_32] : memref<40x128xi32, #tpu.memory_space<vmem>> -> memref<1x128xi32, #tpu.memory_space<vmem>>
    %dma_start3A_34 = tpu.memref_squeeze %dma_start3A_33 : memref<1x128xi32, #tpu.memory_space<vmem>> -> memref<128xi32, #tpu.memory_space<vmem>>
    %dma_start3A_35 = arith.constant 0 : i32
    %dma_start3A_36 = arith.constant 0 : i32
    %dma_start3A_37 = tpu.memref_slice %arg2[%dma_start3A_35, %dma_start3A_36] : memref<10000x128xf32, #tpu.memory_space<hbm>> -> memref<10000x128xf32, #tpu.memory_space<hbm>>
    tpu.enqueue_indirect_dma source(%dma_start3A_37 : memref<10000x128xf32, #tpu.memory_space<hbm>>) target(%arg9 : memref<128x128xf32, #tpu.memory_space<vmem>>) offsets(%dma_start3A_34 : memref<128xi32, #tpu.memory_space<vmem>>) semaphore(%arg12 : memref<!tpu.dma_semaphore, #tpu.memory_space<semaphore_mem>>)
    %scan3A_38 = arith.constant 0 : i32
    %scan3A_39 = arith.constant 0 : i32
    %scan3A_40 = arith.constant 20 : i32
    %scan3A_41 = arith.addi %scan3A_39, %scan3A_40 : i32
    %scan3A_42 = arith.constant 1 : i32
    scf.for %scan3A_94 = %scan3A_39 to %scan3A_41 step %scan3A_42  : i32 {
      %mul3A_95 = arith.constant 2 : i32
      %mul3A_96 = arith.muli %mul3A_95, %scan3A_94 : i32
      %dma_wait3A_97 = arith.constant 0 : i32
      %dma_wait3A_98 = arith.constant 0 : i32
      %dma_wait3A_99 = tpu.memref_slice %arg2[%dma_wait3A_97, %dma_wait3A_98] : memref<10000x128xf32, #tpu.memory_space<hbm>> -> memref<128x128xf32, #tpu.memory_space<hbm>>
      %dma_wait3A_100 = arith.constant 0 : i32
      %dma_wait3A_101 = arith.constant 0 : i32
      %dma_wait3A_102 = tpu.memref_slice %arg2[%dma_wait3A_100, %dma_wait3A_101] : memref<10000x128xf32, #tpu.memory_space<hbm>> -> memref<128x128xf32, #tpu.memory_space<hbm>>
      tpu.wait_dma2 semaphore(%arg11 : memref<!tpu.dma_semaphore, #tpu.memory_space<semaphore_mem>>) src(%dma_wait3A_102 : memref<128x128xf32, #tpu.memory_space<hbm>>) dst(%arg8 : memref<128x128xf32, #tpu.memory_space<vmem>>)
      %dma_start3A_103 = arith.constant 0 : i32
      %dma_start3A_104 = tpu.memref_slice %arg7[%mul3A_96, %dma_start3A_103] : memref<40x128xi32, #tpu.memory_space<vmem>> -> memref<1x128xi32, #tpu.memory_space<vmem>>
      %dma_start3A_105 = tpu.memref_squeeze %dma_start3A_104 : memref<1x128xi32, #tpu.memory_space<vmem>> -> memref<128xi32, #tpu.memory_space<vmem>>
      %dma_start3A_106 = arith.constant 0 : i32
      %dma_start3A_107 = arith.constant 0 : i32
      %dma_start3A_108 = tpu.memref_slice %arg10[%dma_start3A_106, %dma_start3A_107] : memref<10240x128xf32, #tpu.memory_space<vmem_shared>> -> memref<10240x128xf32, #tpu.memory_space<vmem_shared>>
      tpu.enqueue_indirect_dma source(%arg8 : memref<128x128xf32, #tpu.memory_space<vmem>>) target(%dma_start3A_108 : memref<10240x128xf32, #tpu.memory_space<vmem_shared>>) offsets(%dma_start3A_105 : memref<128xi32, #tpu.memory_space<vmem>>) semaphore(%arg13 : memref<!tpu.dma_semaphore, #tpu.memory_space<semaphore_mem>>) {add = true}
      %dma_wait3A_109 = arith.constant 0 : i32
      %dma_wait3A_110 = arith.constant 0 : i32
      %dma_wait3A_111 = tpu.memref_slice %arg2[%dma_wait3A_109, %dma_wait3A_110] : memref<10000x128xf32, #tpu.memory_space<hbm>> -> memref<128x128xf32, #tpu.memory_space<hbm>>
      %dma_wait3A_112 = arith.constant 0 : i32
      %dma_wait3A_113 = arith.constant 0 : i32
      %dma_wait3A_114 = tpu.memref_slice %arg2[%dma_wait3A_112, %dma_wait3A_113] : memref<10000x128xf32, #tpu.memory_space<hbm>> -> memref<128x128xf32, #tpu.memory_space<hbm>>
      tpu.wait_dma2 semaphore(%arg12 : memref<!tpu.dma_semaphore, #tpu.memory_space<semaphore_mem>>) src(%dma_wait3A_114 : memref<128x128xf32, #tpu.memory_space<hbm>>) dst(%arg9 : memref<128x128xf32, #tpu.memory_space<vmem>>)
      %add3A_115 = arith.constant 1 : i32
      %add3A_116 = arith.addi %mul3A_96, %add3A_115 : i32
      %dma_start3A_117 = arith.constant 0 : i32
      %dma_start3A_118 = tpu.memref_slice %arg7[%add3A_116, %dma_start3A_117] : memref<40x128xi32, #tpu.memory_space<vmem>> -> memref<1x128xi32, #tpu.memory_space<vmem>>
      %dma_start3A_119 = tpu.memref_squeeze %dma_start3A_118 : memref<1x128xi32, #tpu.memory_space<vmem>> -> memref<128xi32, #tpu.memory_space<vmem>>
      %dma_start3A_120 = arith.constant 0 : i32
      %dma_start3A_121 = arith.constant 0 : i32
      %dma_start3A_122 = tpu.memref_slice %arg10[%dma_start3A_120, %dma_start3A_121] : memref<10240x128xf32, #tpu.memory_space<vmem_shared>> -> memref<10240x128xf32, #tpu.memory_space<vmem_shared>>
      tpu.enqueue_indirect_dma source(%arg9 : memref<128x128xf32, #tpu.memory_space<vmem>>) target(%dma_start3A_122 : memref<10240x128xf32, #tpu.memory_space<vmem_shared>>) offsets(%dma_start3A_119 : memref<128xi32, #tpu.memory_space<vmem>>) semaphore(%arg14 : memref<!tpu.dma_semaphore, #tpu.memory_space<semaphore_mem>>) {add = true}
      %dma_wait3A_123 = arith.constant 0 : i32
      %dma_wait3A_124 = arith.constant 0 : i32
      %dma_wait3A_125 = tpu.memref_slice %arg2[%dma_wait3A_123, %dma_wait3A_124] : memref<10000x128xf32, #tpu.memory_space<hbm>> -> memref<128x128xf32, #tpu.memory_space<hbm>>
      %dma_wait3A_126 = arith.constant 0 : i32
      %dma_wait3A_127 = arith.constant 0 : i32
      %dma_wait3A_128 = tpu.memref_slice %arg2[%dma_wait3A_126, %dma_wait3A_127] : memref<10000x128xf32, #tpu.memory_space<hbm>> -> memref<128x128xf32, #tpu.memory_space<hbm>>
      tpu.wait_dma2 semaphore(%arg13 : memref<!tpu.dma_semaphore, #tpu.memory_space<semaphore_mem>>) src(%dma_wait3A_128 : memref<128x128xf32, #tpu.memory_space<hbm>>) dst(%arg8 : memref<128x128xf32, #tpu.memory_space<vmem>>)
      %add3A_129 = arith.constant 2 : i32
      %add3A_130 = arith.addi %mul3A_96, %add3A_129 : i32
      %jit3A = arith.constant 40 : i32
      %eq3A = arith.constant 0 : i32
      %eq3A_131 = arith.cmpi eq, %jit3A, %eq3A : i32
      %jit3A_132 = arith.constant 1 : i32
      %select_n3A = arith.select %eq3A_131, %jit3A_132, %jit3A : i32
      %rem3A = arith.remsi %add3A_130, %select_n3A : i32
      %ne3A = arith.constant 0 : i32
      %ne3A_133 = arith.cmpi ne, %rem3A, %ne3A : i32
      %lt3A = arith.constant 0 : i32
      %lt3A_134 = arith.cmpi slt, %rem3A, %lt3A : i32
      %lt3A_135 = arith.constant 0 : i32
      %lt3A_136 = arith.cmpi slt, %select_n3A, %lt3A_135 : i32
      %ne3A_137 = arith.xori %lt3A_134, %lt3A_136 : i1
      %and3A = arith.andi %ne3A_137, %ne3A_133 : i1
      %add3A_138 = arith.addi %rem3A, %select_n3A : i32
      %select_n3A_139 = arith.select %and3A, %add3A_138, %rem3A : i32
      %dma_start3A_140 = arith.constant 0 : i32
      %dma_start3A_141 = tpu.memref_slice %arg6[%select_n3A_139, %dma_start3A_140] : memref<40x128xi32, #tpu.memory_space<vmem>> -> memref<1x128xi32, #tpu.memory_space<vmem>>
      %dma_start3A_142 = tpu.memref_squeeze %dma_start3A_141 : memref<1x128xi32, #tpu.memory_space<vmem>> -> memref<128xi32, #tpu.memory_space<vmem>>
      %dma_start3A_143 = arith.constant 0 : i32
      %dma_start3A_144 = arith.constant 0 : i32
      %dma_start3A_145 = tpu.memref_slice %arg2[%dma_start3A_143, %dma_start3A_144] : memref<10000x128xf32, #tpu.memory_space<hbm>> -> memref<10000x128xf32, #tpu.memory_space<hbm>>
      tpu.enqueue_indirect_dma source(%dma_start3A_145 : memref<10000x128xf32, #tpu.memory_space<hbm>>) target(%arg8 : memref<128x128xf32, #tpu.memory_space<vmem>>) offsets(%dma_start3A_142 : memref<128xi32, #tpu.memory_space<vmem>>) semaphore(%arg11 : memref<!tpu.dma_semaphore, #tpu.memory_space<semaphore_mem>>)
      %dma_wait3A_146 = arith.constant 0 : i32
      %dma_wait3A_147 = arith.constant 0 : i32
      %dma_wait3A_148 = tpu.memref_slice %arg2[%dma_wait3A_146, %dma_wait3A_147] : memref<10000x128xf32, #tpu.memory_space<hbm>> -> memref<128x128xf32, #tpu.memory_space<hbm>>
      %dma_wait3A_149 = arith.constant 0 : i32
      %dma_wait3A_150 = arith.constant 0 : i32
      %dma_wait3A_151 = tpu.memref_slice %arg2[%dma_wait3A_149, %dma_wait3A_150] : memref<10000x128xf32, #tpu.memory_space<hbm>> -> memref<128x128xf32, #tpu.memory_space<hbm>>
      tpu.wait_dma2 semaphore(%arg14 : memref<!tpu.dma_semaphore, #tpu.memory_space<semaphore_mem>>) src(%dma_wait3A_151 : memref<128x128xf32, #tpu.memory_space<hbm>>) dst(%arg9 : memref<128x128xf32, #tpu.memory_space<vmem>>)
      %add3A_152 = arith.constant 3 : i32
      %add3A_153 = arith.addi %mul3A_96, %add3A_152 : i32
      %jit3A_154 = arith.constant 40 : i32
      %eq3A_155 = arith.constant 0 : i32
      %eq3A_156 = arith.cmpi eq, %jit3A_154, %eq3A_155 : i32
      %jit3A_157 = arith.constant 1 : i32
      %select_n3A_158 = arith.select %eq3A_156, %jit3A_157, %jit3A_154 : i32
      %rem3A_159 = arith.remsi %add3A_153, %select_n3A_158 : i32
      %ne3A_160 = arith.constant 0 : i32
      %ne3A_161 = arith.cmpi ne, %rem3A_159, %ne3A_160 : i32
      %lt3A_162 = arith.constant 0 : i32
      %lt3A_163 = arith.cmpi slt, %rem3A_159, %lt3A_162 : i32
      %lt3A_164 = arith.constant 0 : i32
      %lt3A_165 = arith.cmpi slt, %select_n3A_158, %lt3A_164 : i32
      %ne3A_166 = arith.xori %lt3A_163, %lt3A_165 : i1
      %and3A_167 = arith.andi %ne3A_166, %ne3A_161 : i1
      %add3A_168 = arith.addi %rem3A_159, %select_n3A_158 : i32
      %select_n3A_169 = arith.select %and3A_167, %add3A_168, %rem3A_159 : i32
      %dma_start3A_170 = arith.constant 0 : i32
      %dma_start3A_171 = tpu.memref_slice %arg6[%select_n3A_169, %dma_start3A_170] : memref<40x128xi32, #tpu.memory_space<vmem>> -> memref<1x128xi32, #tpu.memory_space<vmem>>
      %dma_start3A_172 = tpu.memref_squeeze %dma_start3A_171 : memref<1x128xi32, #tpu.memory_space<vmem>> -> memref<128xi32, #tpu.memory_space<vmem>>
      %dma_start3A_173 = arith.constant 0 : i32
      %dma_start3A_174 = arith.constant 0 : i32
      %dma_start3A_175 = tpu.memref_slice %arg2[%dma_start3A_173, %dma_start3A_174] : memref<10000x128xf32, #tpu.memory_space<hbm>> -> memref<10000x128xf32, #tpu.memory_space<hbm>>
      tpu.enqueue_indirect_dma source(%dma_start3A_175 : memref<10000x128xf32, #tpu.memory_space<hbm>>) target(%arg9 : memref<128x128xf32, #tpu.memory_space<vmem>>) offsets(%dma_start3A_172 : memref<128xi32, #tpu.memory_space<vmem>>) semaphore(%arg12 : memref<!tpu.dma_semaphore, #tpu.memory_space<semaphore_mem>>)
    }
    %scan3A_43 = arith.constant 20 : i32
    %dma_wait3A = arith.constant 0 : i32
    %dma_wait3A_44 = arith.constant 0 : i32
    %dma_wait3A_45 = tpu.memref_slice %arg2[%dma_wait3A, %dma_wait3A_44] : memref<10000x128xf32, #tpu.memory_space<hbm>> -> memref<128x128xf32, #tpu.memory_space<hbm>>
    %dma_wait3A_46 = arith.constant 0 : i32
    %dma_wait3A_47 = arith.constant 0 : i32
    %dma_wait3A_48 = tpu.memref_slice %arg2[%dma_wait3A_46, %dma_wait3A_47] : memref<10000x128xf32, #tpu.memory_space<hbm>> -> memref<128x128xf32, #tpu.memory_space<hbm>>
    tpu.wait_dma2 semaphore(%arg11 : memref<!tpu.dma_semaphore, #tpu.memory_space<semaphore_mem>>) src(%dma_wait3A_48 : memref<128x128xf32, #tpu.memory_space<hbm>>) dst(%arg8 : memref<128x128xf32, #tpu.memory_space<vmem>>)
    %dma_wait3A_49 = arith.constant 0 : i32
    %dma_wait3A_50 = arith.constant 0 : i32
    %dma_wait3A_51 = tpu.memref_slice %arg2[%dma_wait3A_49, %dma_wait3A_50] : memref<10000x128xf32, #tpu.memory_space<hbm>> -> memref<128x128xf32, #tpu.memory_space<hbm>>
    %dma_wait3A_52 = arith.constant 0 : i32
    %dma_wait3A_53 = arith.constant 0 : i32
    %dma_wait3A_54 = tpu.memref_slice %arg2[%dma_wait3A_52, %dma_wait3A_53] : memref<10000x128xf32, #tpu.memory_space<hbm>> -> memref<128x128xf32, #tpu.memory_space<hbm>>
    tpu.wait_dma2 semaphore(%arg12 : memref<!tpu.dma_semaphore, #tpu.memory_space<semaphore_mem>>) src(%dma_wait3A_54 : memref<128x128xf32, #tpu.memory_space<hbm>>) dst(%arg9 : memref<128x128xf32, #tpu.memory_space<vmem>>)
    %run_scoped3A_55 = arith.constant 1 : i32
    "tpu.region"() ({
      %run_scoped3A_94 = tpu.sem_alloc : memref<!tpu.dma_semaphore, #tpu.memory_space<semaphore_mem>>
      %dma_start3A_95 = arith.constant 0 : i32
      %dma_start3A_96 = arith.constant 0 : i32
      %dma_start3A_97 = tpu.memref_slice %arg3[%arg0, %arg1, %run_scoped3A_55, %dma_start3A_95, %dma_start3A_96] : memref<2x16x2x40x128xi32, #tpu.memory_space<hbm>> -> memref<1x1x1x40x128xi32, #tpu.memory_space<hbm>>
      %dma_start3A_98 = tpu.memref_squeeze %dma_start3A_97 : memref<1x1x1x40x128xi32, #tpu.memory_space<hbm>> -> memref<40x128xi32, #tpu.memory_space<hbm>>
      %dma_start3A_99 = arith.constant 0 : i32
      %dma_start3A_100 = arith.constant 0 : i32
      %dma_start3A_101 = tpu.memref_slice %arg3[%arg0, %arg1, %run_scoped3A_55, %dma_start3A_99, %dma_start3A_100] : memref<2x16x2x40x128xi32, #tpu.memory_space<hbm>> -> memref<1x1x1x40x128xi32, #tpu.memory_space<hbm>>
      %dma_start3A_102 = tpu.memref_squeeze %dma_start3A_101 : memref<1x1x1x40x128xi32, #tpu.memory_space<hbm>> -> memref<40x128xi32, #tpu.memory_space<hbm>>
      tpu.enqueue_dma source(%dma_start3A_102 : memref<40x128xi32, #tpu.memory_space<hbm>>) target(%arg6 : memref<40x128xi32, #tpu.memory_space<vmem>>) target_semaphore(%run_scoped3A_94 : memref<!tpu.dma_semaphore, #tpu.memory_space<semaphore_mem>>)
      %dma_wait3A_103 = arith.constant 0 : i32
      %dma_wait3A_104 = arith.constant 0 : i32
      %dma_wait3A_105 = tpu.memref_slice %arg3[%arg0, %arg1, %run_scoped3A_55, %dma_wait3A_103, %dma_wait3A_104] : memref<2x16x2x40x128xi32, #tpu.memory_space<hbm>> -> memref<1x1x1x40x128xi32, #tpu.memory_space<hbm>>
      %dma_wait3A_106 = tpu.memref_squeeze %dma_wait3A_105 : memref<1x1x1x40x128xi32, #tpu.memory_space<hbm>> -> memref<40x128xi32, #tpu.memory_space<hbm>>
      %dma_wait3A_107 = arith.constant 0 : i32
      %dma_wait3A_108 = arith.constant 0 : i32
      %dma_wait3A_109 = tpu.memref_slice %arg3[%arg0, %arg1, %run_scoped3A_55, %dma_wait3A_107, %dma_wait3A_108] : memref<2x16x2x40x128xi32, #tpu.memory_space<hbm>> -> memref<1x1x1x40x128xi32, #tpu.memory_space<hbm>>
      %dma_wait3A_110 = tpu.memref_squeeze %dma_wait3A_109 : memref<1x1x1x40x128xi32, #tpu.memory_space<hbm>> -> memref<40x128xi32, #tpu.memory_space<hbm>>
      tpu.wait_dma2 semaphore(%run_scoped3A_94 : memref<!tpu.dma_semaphore, #tpu.memory_space<semaphore_mem>>) src(%dma_wait3A_110 : memref<40x128xi32, #tpu.memory_space<hbm>>) dst(%arg6 : memref<40x128xi32, #tpu.memory_space<vmem>>)
      tpu.yield
    }) : () -> ()
    %run_scoped3A_56 = arith.constant 1 : i32
    "tpu.region"() ({
      %run_scoped3A_94 = tpu.sem_alloc : memref<!tpu.dma_semaphore, #tpu.memory_space<semaphore_mem>>
      %dma_start3A_95 = arith.constant 0 : i32
      %dma_start3A_96 = arith.constant 0 : i32
      %dma_start3A_97 = tpu.memref_slice %arg4[%arg0, %arg1, %run_scoped3A_56, %dma_start3A_95, %dma_start3A_96] : memref<2x16x2x40x128xi32, #tpu.memory_space<hbm>> -> memref<1x1x1x40x128xi32, #tpu.memory_space<hbm>>
      %dma_start3A_98 = tpu.memref_squeeze %dma_start3A_97 : memref<1x1x1x40x128xi32, #tpu.memory_space<hbm>> -> memref<40x128xi32, #tpu.memory_space<hbm>>
      %dma_start3A_99 = arith.constant 0 : i32
      %dma_start3A_100 = arith.constant 0 : i32
      %dma_start3A_101 = tpu.memref_slice %arg4[%arg0, %arg1, %run_scoped3A_56, %dma_start3A_99, %dma_start3A_100] : memref<2x16x2x40x128xi32, #tpu.memory_space<hbm>> -> memref<1x1x1x40x128xi32, #tpu.memory_space<hbm>>
      %dma_start3A_102 = tpu.memref_squeeze %dma_start3A_101 : memref<1x1x1x40x128xi32, #tpu.memory_space<hbm>> -> memref<40x128xi32, #tpu.memory_space<hbm>>
      tpu.enqueue_dma source(%dma_start3A_102 : memref<40x128xi32, #tpu.memory_space<hbm>>) target(%arg7 : memref<40x128xi32, #tpu.memory_space<vmem>>) target_semaphore(%run_scoped3A_94 : memref<!tpu.dma_semaphore, #tpu.memory_space<semaphore_mem>>)
      %dma_wait3A_103 = arith.constant 0 : i32
      %dma_wait3A_104 = arith.constant 0 : i32
      %dma_wait3A_105 = tpu.memref_slice %arg4[%arg0, %arg1, %run_scoped3A_56, %dma_wait3A_103, %dma_wait3A_104] : memref<2x16x2x40x128xi32, #tpu.memory_space<hbm>> -> memref<1x1x1x40x128xi32, #tpu.memory_space<hbm>>
      %dma_wait3A_106 = tpu.memref_squeeze %dma_wait3A_105 : memref<1x1x1x40x128xi32, #tpu.memory_space<hbm>> -> memref<40x128xi32, #tpu.memory_space<hbm>>
      %dma_wait3A_107 = arith.constant 0 : i32
      %dma_wait3A_108 = arith.constant 0 : i32
      %dma_wait3A_109 = tpu.memref_slice %arg4[%arg0, %arg1, %run_scoped3A_56, %dma_wait3A_107, %dma_wait3A_108] : memref<2x16x2x40x128xi32, #tpu.memory_space<hbm>> -> memref<1x1x1x40x128xi32, #tpu.memory_space<hbm>>
      %dma_wait3A_110 = tpu.memref_squeeze %dma_wait3A_109 : memref<1x1x1x40x128xi32, #tpu.memory_space<hbm>> -> memref<40x128xi32, #tpu.memory_space<hbm>>
      tpu.wait_dma2 semaphore(%run_scoped3A_94 : memref<!tpu.dma_semaphore, #tpu.memory_space<semaphore_mem>>) src(%dma_wait3A_110 : memref<40x128xi32, #tpu.memory_space<hbm>>) dst(%arg7 : memref<40x128xi32, #tpu.memory_space<vmem>>)
      tpu.yield
    }) : () -> ()
    %dma_start3A_57 = arith.constant 0 : i32
    %dma_start3A_58 = arith.constant 0 : i32
    %dma_start3A_59 = tpu.memref_slice %arg6[%dma_start3A_57, %dma_start3A_58] : memref<40x128xi32, #tpu.memory_space<vmem>> -> memref<1x128xi32, #tpu.memory_space<vmem>>
    %dma_start3A_60 = tpu.memref_squeeze %dma_start3A_59 : memref<1x128xi32, #tpu.memory_space<vmem>> -> memref<128xi32, #tpu.memory_space<vmem>>
    %dma_start3A_61 = arith.constant 0 : i32
    %dma_start3A_62 = arith.constant 0 : i32
    %dma_start3A_63 = tpu.memref_slice %arg2[%dma_start3A_61, %dma_start3A_62] : memref<10000x128xf32, #tpu.memory_space<hbm>> -> memref<10000x128xf32, #tpu.memory_space<hbm>>
    tpu.enqueue_indirect_dma source(%dma_start3A_63 : memref<10000x128xf32, #tpu.memory_space<hbm>>) target(%arg8 : memref<128x128xf32, #tpu.memory_space<vmem>>) offsets(%dma_start3A_60 : memref<128xi32, #tpu.memory_space<vmem>>) semaphore(%arg11 : memref<!tpu.dma_semaphore, #tpu.memory_space<semaphore_mem>>)
    %dma_start3A_64 = arith.constant 1 : i32
    %dma_start3A_65 = arith.constant 0 : i32
    %dma_start3A_66 = tpu.memref_slice %arg6[%dma_start3A_64, %dma_start3A_65] : memref<40x128xi32, #tpu.memory_space<vmem>> -> memref<1x128xi32, #tpu.memory_space<vmem>>
    %dma_start3A_67 = tpu.memref_squeeze %dma_start3A_66 : memref<1x128xi32, #tpu.memory_space<vmem>> -> memref<128xi32, #tpu.memory_space<vmem>>
    %dma_start3A_68 = arith.constant 0 : i32
    %dma_start3A_69 = arith.constant 0 : i32
    %dma_start3A_70 = tpu.memref_slice %arg2[%dma_start3A_68, %dma_start3A_69] : memref<10000x128xf32, #tpu.memory_space<hbm>> -> memref<10000x128xf32, #tpu.memory_space<hbm>>
    tpu.enqueue_indirect_dma source(%dma_start3A_70 : memref<10000x128xf32, #tpu.memory_space<hbm>>) target(%arg9 : memref<128x128xf32, #tpu.memory_space<vmem>>) offsets(%dma_start3A_67 : memref<128xi32, #tpu.memory_space<vmem>>) semaphore(%arg12 : memref<!tpu.dma_semaphore, #tpu.memory_space<semaphore_mem>>)
    %scan3A_71 = arith.constant 0 : i32
    %scan3A_72 = arith.constant 0 : i32
    %scan3A_73 = arith.constant 20 : i32
    %scan3A_74 = arith.addi %scan3A_72, %scan3A_73 : i32
    %scan3A_75 = arith.constant 1 : i32
    scf.for %scan3A_94 = %scan3A_72 to %scan3A_74 step %scan3A_75  : i32 {
      %mul3A_95 = arith.constant 2 : i32
      %mul3A_96 = arith.muli %mul3A_95, %scan3A_94 : i32
      %dma_wait3A_97 = arith.constant 0 : i32
      %dma_wait3A_98 = arith.constant 0 : i32
      %dma_wait3A_99 = tpu.memref_slice %arg2[%dma_wait3A_97, %dma_wait3A_98] : memref<10000x128xf32, #tpu.memory_space<hbm>> -> memref<128x128xf32, #tpu.memory_space<hbm>>
      %dma_wait3A_100 = arith.constant 0 : i32
      %dma_wait3A_101 = arith.constant 0 : i32
      %dma_wait3A_102 = tpu.memref_slice %arg2[%dma_wait3A_100, %dma_wait3A_101] : memref<10000x128xf32, #tpu.memory_space<hbm>> -> memref<128x128xf32, #tpu.memory_space<hbm>>
      tpu.wait_dma2 semaphore(%arg11 : memref<!tpu.dma_semaphore, #tpu.memory_space<semaphore_mem>>) src(%dma_wait3A_102 : memref<128x128xf32, #tpu.memory_space<hbm>>) dst(%arg8 : memref<128x128xf32, #tpu.memory_space<vmem>>)
      %dma_start3A_103 = arith.constant 0 : i32
      %dma_start3A_104 = tpu.memref_slice %arg7[%mul3A_96, %dma_start3A_103] : memref<40x128xi32, #tpu.memory_space<vmem>> -> memref<1x128xi32, #tpu.memory_space<vmem>>
      %dma_start3A_105 = tpu.memref_squeeze %dma_start3A_104 : memref<1x128xi32, #tpu.memory_space<vmem>> -> memref<128xi32, #tpu.memory_space<vmem>>
      %dma_start3A_106 = arith.constant 0 : i32
      %dma_start3A_107 = arith.constant 0 : i32
      %dma_start3A_108 = tpu.memref_slice %arg10[%dma_start3A_106, %dma_start3A_107] : memref<10240x128xf32, #tpu.memory_space<vmem_shared>> -> memref<10240x128xf32, #tpu.memory_space<vmem_shared>>
      tpu.enqueue_indirect_dma source(%arg8 : memref<128x128xf32, #tpu.memory_space<vmem>>) target(%dma_start3A_108 : memref<10240x128xf32, #tpu.memory_space<vmem_shared>>) offsets(%dma_start3A_105 : memref<128xi32, #tpu.memory_space<vmem>>) semaphore(%arg13 : memref<!tpu.dma_semaphore, #tpu.memory_space<semaphore_mem>>) {add = true}
      %dma_wait3A_109 = arith.constant 0 : i32
      %dma_wait3A_110 = arith.constant 0 : i32
      %dma_wait3A_111 = tpu.memref_slice %arg2[%dma_wait3A_109, %dma_wait3A_110] : memref<10000x128xf32, #tpu.memory_space<hbm>> -> memref<128x128xf32, #tpu.memory_space<hbm>>
      %dma_wait3A_112 = arith.constant 0 : i32
      %dma_wait3A_113 = arith.constant 0 : i32
      %dma_wait3A_114 = tpu.memref_slice %arg2[%dma_wait3A_112, %dma_wait3A_113] : memref<10000x128xf32, #tpu.memory_space<hbm>> -> memref<128x128xf32, #tpu.memory_space<hbm>>
      tpu.wait_dma2 semaphore(%arg12 : memref<!tpu.dma_semaphore, #tpu.memory_space<semaphore_mem>>) src(%dma_wait3A_114 : memref<128x128xf32, #tpu.memory_space<hbm>>) dst(%arg9 : memref<128x128xf32, #tpu.memory_space<vmem>>)
      %add3A_115 = arith.constant 1 : i32
      %add3A_116 = arith.addi %mul3A_96, %add3A_115 : i32
      %dma_start3A_117 = arith.constant 0 : i32
      %dma_start3A_118 = tpu.memref_slice %arg7[%add3A_116, %dma_start3A_117] : memref<40x128xi32, #tpu.memory_space<vmem>> -> memref<1x128xi32, #tpu.memory_space<vmem>>
      %dma_start3A_119 = tpu.memref_squeeze %dma_start3A_118 : memref<1x128xi32, #tpu.memory_space<vmem>> -> memref<128xi32, #tpu.memory_space<vmem>>
      %dma_start3A_120 = arith.constant 0 : i32
      %dma_start3A_121 = arith.constant 0 : i32
      %dma_start3A_122 = tpu.memref_slice %arg10[%dma_start3A_120, %dma_start3A_121] : memref<10240x128xf32, #tpu.memory_space<vmem_shared>> -> memref<10240x128xf32, #tpu.memory_space<vmem_shared>>
      tpu.enqueue_indirect_dma source(%arg9 : memref<128x128xf32, #tpu.memory_space<vmem>>) target(%dma_start3A_122 : memref<10240x128xf32, #tpu.memory_space<vmem_shared>>) offsets(%dma_start3A_119 : memref<128xi32, #tpu.memory_space<vmem>>) semaphore(%arg14 : memref<!tpu.dma_semaphore, #tpu.memory_space<semaphore_mem>>) {add = true}
      %dma_wait3A_123 = arith.constant 0 : i32
      %dma_wait3A_124 = arith.constant 0 : i32
      %dma_wait3A_125 = tpu.memref_slice %arg2[%dma_wait3A_123, %dma_wait3A_124] : memref<10000x128xf32, #tpu.memory_space<hbm>> -> memref<128x128xf32, #tpu.memory_space<hbm>>
      %dma_wait3A_126 = arith.constant 0 : i32
      %dma_wait3A_127 = arith.constant 0 : i32
      %dma_wait3A_128 = tpu.memref_slice %arg2[%dma_wait3A_126, %dma_wait3A_127] : memref<10000x128xf32, #tpu.memory_space<hbm>> -> memref<128x128xf32, #tpu.memory_space<hbm>>
      tpu.wait_dma2 semaphore(%arg13 : memref<!tpu.dma_semaphore, #tpu.memory_space<semaphore_mem>>) src(%dma_wait3A_128 : memref<128x128xf32, #tpu.memory_space<hbm>>) dst(%arg8 : memref<128x128xf32, #tpu.memory_space<vmem>>)
      %add3A_129 = arith.constant 2 : i32
      %add3A_130 = arith.addi %mul3A_96, %add3A_129 : i32
      %jit3A = arith.constant 40 : i32
      %eq3A = arith.constant 0 : i32
      %eq3A_131 = arith.cmpi eq, %jit3A, %eq3A : i32
      %jit3A_132 = arith.constant 1 : i32
      %select_n3A = arith.select %eq3A_131, %jit3A_132, %jit3A : i32
      %rem3A = arith.remsi %add3A_130, %select_n3A : i32
      %ne3A = arith.constant 0 : i32
      %ne3A_133 = arith.cmpi ne, %rem3A, %ne3A : i32
      %lt3A = arith.constant 0 : i32
      %lt3A_134 = arith.cmpi slt, %rem3A, %lt3A : i32
      %lt3A_135 = arith.constant 0 : i32
      %lt3A_136 = arith.cmpi slt, %select_n3A, %lt3A_135 : i32
      %ne3A_137 = arith.xori %lt3A_134, %lt3A_136 : i1
      %and3A = arith.andi %ne3A_137, %ne3A_133 : i1
      %add3A_138 = arith.addi %rem3A, %select_n3A : i32
      %select_n3A_139 = arith.select %and3A, %add3A_138, %rem3A : i32
      %dma_start3A_140 = arith.constant 0 : i32
      %dma_start3A_141 = tpu.memref_slice %arg6[%select_n3A_139, %dma_start3A_140] : memref<40x128xi32, #tpu.memory_space<vmem>> -> memref<1x128xi32, #tpu.memory_space<vmem>>
      %dma_start3A_142 = tpu.memref_squeeze %dma_start3A_141 : memref<1x128xi32, #tpu.memory_space<vmem>> -> memref<128xi32, #tpu.memory_space<vmem>>
      %dma_start3A_143 = arith.constant 0 : i32
      %dma_start3A_144 = arith.constant 0 : i32
      %dma_start3A_145 = tpu.memref_slice %arg2[%dma_start3A_143, %dma_start3A_144] : memref<10000x128xf32, #tpu.memory_space<hbm>> -> memref<10000x128xf32, #tpu.memory_space<hbm>>
      tpu.enqueue_indirect_dma source(%dma_start3A_145 : memref<10000x128xf32, #tpu.memory_space<hbm>>) target(%arg8 : memref<128x128xf32, #tpu.memory_space<vmem>>) offsets(%dma_start3A_142 : memref<128xi32, #tpu.memory_space<vmem>>) semaphore(%arg11 : memref<!tpu.dma_semaphore, #tpu.memory_space<semaphore_mem>>)
      %dma_wait3A_146 = arith.constant 0 : i32
      %dma_wait3A_147 = arith.constant 0 : i32
      %dma_wait3A_148 = tpu.memref_slice %arg2[%dma_wait3A_146, %dma_wait3A_147] : memref<10000x128xf32, #tpu.memory_space<hbm>> -> memref<128x128xf32, #tpu.memory_space<hbm>>
      %dma_wait3A_149 = arith.constant 0 : i32
      %dma_wait3A_150 = arith.constant 0 : i32
      %dma_wait3A_151 = tpu.memref_slice %arg2[%dma_wait3A_149, %dma_wait3A_150] : memref<10000x128xf32, #tpu.memory_space<hbm>> -> memref<128x128xf32, #tpu.memory_space<hbm>>
      tpu.wait_dma2 semaphore(%arg14 : memref<!tpu.dma_semaphore, #tpu.memory_space<semaphore_mem>>) src(%dma_wait3A_151 : memref<128x128xf32, #tpu.memory_space<hbm>>) dst(%arg9 : memref<128x128xf32, #tpu.memory_space<vmem>>)
      %add3A_152 = arith.constant 3 : i32
      %add3A_153 = arith.addi %mul3A_96, %add3A_152 : i32
      %jit3A_154 = arith.constant 40 : i32
      %eq3A_155 = arith.constant 0 : i32
      %eq3A_156 = arith.cmpi eq, %jit3A_154, %eq3A_155 : i32
      %jit3A_157 = arith.constant 1 : i32
      %select_n3A_158 = arith.select %eq3A_156, %jit3A_157, %jit3A_154 : i32
      %rem3A_159 = arith.remsi %add3A_153, %select_n3A_158 : i32
      %ne3A_160 = arith.constant 0 : i32
      %ne3A_161 = arith.cmpi ne, %rem3A_159, %ne3A_160 : i32
      %lt3A_162 = arith.constant 0 : i32
      %lt3A_163 = arith.cmpi slt, %rem3A_159, %lt3A_162 : i32
      %lt3A_164 = arith.constant 0 : i32
      %lt3A_165 = arith.cmpi slt, %select_n3A_158, %lt3A_164 : i32
      %ne3A_166 = arith.xori %lt3A_163, %lt3A_165 : i1
      %and3A_167 = arith.andi %ne3A_166, %ne3A_161 : i1
      %add3A_168 = arith.addi %rem3A_159, %select_n3A_158 : i32
      %select_n3A_169 = arith.select %and3A_167, %add3A_168, %rem3A_159 : i32
      %dma_start3A_170 = arith.constant 0 : i32
      %dma_start3A_171 = tpu.memref_slice %arg6[%select_n3A_169, %dma_start3A_170] : memref<40x128xi32, #tpu.memory_space<vmem>> -> memref<1x128xi32, #tpu.memory_space<vmem>>
      %dma_start3A_172 = tpu.memref_squeeze %dma_start3A_171 : memref<1x128xi32, #tpu.memory_space<vmem>> -> memref<128xi32, #tpu.memory_space<vmem>>
      %dma_start3A_173 = arith.constant 0 : i32
      %dma_start3A_174 = arith.constant 0 : i32
      %dma_start3A_175 = tpu.memref_slice %arg2[%dma_start3A_173, %dma_start3A_174] : memref<10000x128xf32, #tpu.memory_space<hbm>> -> memref<10000x128xf32, #tpu.memory_space<hbm>>
      tpu.enqueue_indirect_dma source(%dma_start3A_175 : memref<10000x128xf32, #tpu.memory_space<hbm>>) target(%arg9 : memref<128x128xf32, #tpu.memory_space<vmem>>) offsets(%dma_start3A_172 : memref<128xi32, #tpu.memory_space<vmem>>) semaphore(%arg12 : memref<!tpu.dma_semaphore, #tpu.memory_space<semaphore_mem>>)
    }
    %scan3A_76 = arith.constant 20 : i32
    %dma_wait3A_77 = arith.constant 0 : i32
    %dma_wait3A_78 = arith.constant 0 : i32
    %dma_wait3A_79 = tpu.memref_slice %arg2[%dma_wait3A_77, %dma_wait3A_78] : memref<10000x128xf32, #tpu.memory_space<hbm>> -> memref<128x128xf32, #tpu.memory_space<hbm>>
    %dma_wait3A_80 = arith.constant 0 : i32
    %dma_wait3A_81 = arith.constant 0 : i32
    %dma_wait3A_82 = tpu.memref_slice %arg2[%dma_wait3A_80, %dma_wait3A_81] : memref<10000x128xf32, #tpu.memory_space<hbm>> -> memref<128x128xf32, #tpu.memory_space<hbm>>
    tpu.wait_dma2 semaphore(%arg11 : memref<!tpu.dma_semaphore, #tpu.memory_space<semaphore_mem>>) src(%dma_wait3A_82 : memref<128x128xf32, #tpu.memory_space<hbm>>) dst(%arg8 : memref<128x128xf32, #tpu.memory_space<vmem>>)
    %dma_wait3A_83 = arith.constant 0 : i32
    %dma_wait3A_84 = arith.constant 0 : i32
    %dma_wait3A_85 = tpu.memref_slice %arg2[%dma_wait3A_83, %dma_wait3A_84] : memref<10000x128xf32, #tpu.memory_space<hbm>> -> memref<128x128xf32, #tpu.memory_space<hbm>>
    %dma_wait3A_86 = arith.constant 0 : i32
    %dma_wait3A_87 = arith.constant 0 : i32
    %dma_wait3A_88 = tpu.memref_slice %arg2[%dma_wait3A_86, %dma_wait3A_87] : memref<10000x128xf32, #tpu.memory_space<hbm>> -> memref<128x128xf32, #tpu.memory_space<hbm>>
    tpu.wait_dma2 semaphore(%arg12 : memref<!tpu.dma_semaphore, #tpu.memory_space<semaphore_mem>>) src(%dma_wait3A_88 : memref<128x128xf32, #tpu.memory_space<hbm>>) dst(%arg9 : memref<128x128xf32, #tpu.memory_space<vmem>>)
    %barrier3A_89 = arith.constant 0 : index
    tpu.barrier barrier_id(%barrier3A_89)
    %mul3A_90 = arith.constant 640 : i32
    %mul3A_91 = arith.muli %arg1, %mul3A_90 : i32
    %mul3A_92 = arith.constant 640 : i32
    %mul3A_93 = arith.muli %arg1, %mul3A_92 : i32
    "tpu.region"() ({
      %run_scoped3A_94 = tpu.sem_alloc : memref<!tpu.dma_semaphore, #tpu.memory_space<semaphore_mem>>
      %dma_start3A_95 = arith.constant 0 : i32
      %dma_start3A_96 = tpu.memref_slice %arg5[%arg0, %mul3A_93, %dma_start3A_95] : memref<2x10240x128xf32, #tpu.memory_space<hbm>> -> memref<1x640x128xf32, #tpu.memory_space<hbm>>
      %dma_start3A_97 = tpu.memref_squeeze %dma_start3A_96 : memref<1x640x128xf32, #tpu.memory_space<hbm>> -> memref<640x128xf32, #tpu.memory_space<hbm>>
      %dma_start3A_98 = arith.constant 0 : i32
      %dma_start3A_99 = tpu.memref_slice %arg10[%mul3A_91, %dma_start3A_98] : memref<10240x128xf32, #tpu.memory_space<vmem_shared>> -> memref<640x128xf32, #tpu.memory_space<vmem_shared>>
      tpu.enqueue_dma source(%dma_start3A_99 : memref<640x128xf32, #tpu.memory_space<vmem_shared>>) target(%dma_start3A_97 : memref<640x128xf32, #tpu.memory_space<hbm>>) target_semaphore(%run_scoped3A_94 : memref<!tpu.dma_semaphore, #tpu.memory_space<semaphore_mem>>)
      %dma_wait3A_100 = arith.constant 0 : i32
      %dma_wait3A_101 = tpu.memref_slice %arg5[%arg0, %mul3A_93, %dma_wait3A_100] : memref<2x10240x128xf32, #tpu.memory_space<hbm>> -> memref<1x640x128xf32, #tpu.memory_space<hbm>>
      %dma_wait3A_102 = tpu.memref_squeeze %dma_wait3A_101 : memref<1x640x128xf32, #tpu.memory_space<hbm>> -> memref<640x128xf32, #tpu.memory_space<hbm>>
      %dma_wait3A_103 = arith.constant 0 : i32
      %dma_wait3A_104 = tpu.memref_slice %arg10[%mul3A_91, %dma_wait3A_103] : memref<10240x128xf32, #tpu.memory_space<vmem_shared>> -> memref<640x128xf32, #tpu.memory_space<vmem_shared>>
      tpu.wait_dma2 semaphore(%run_scoped3A_94 : memref<!tpu.dma_semaphore, #tpu.memory_space<semaphore_mem>>) src(%dma_wait3A_104 : memref<640x128xf32, #tpu.memory_space<vmem_shared>>) dst(%dma_wait3A_102 : memref<640x128xf32, #tpu.memory_space<hbm>>)
      tpu.yield
    }) : () -> ()
    return
  }
}

#map = affine_map<(d0, d1) -> (0, 0)>
#map1 = affine_map<(d0, d1) -> (0, 0, 0, 0, 0)>
#map2 = affine_map<(d0, d1) -> (0, 0, 0)>
module attributes {stable_mosaic.version = 14 : i64} {
  func.func @_sc_agg_body(%arg0: i32, %arg1: i32, %arg2: memref<10000x128xf32, #tpu.memory_space<hbm>>, %arg3: memref<2x16x2x40x128xi32, #tpu.memory_space<hbm>>, %arg4: memref<2x16x2x40x128xi32, #tpu.memory_space<hbm>>, %arg5: memref<2x10240x128xf32, #tpu.memory_space<hbm>>, %arg6: memref<40x128xi32, #tpu.memory_space<vmem>>, %arg7: memref<40x128xi32, #tpu.memory_space<vmem>>, %arg8: memref<128x128xf32, #tpu.memory_space<vmem>>, %arg9: memref<128x128xf32, #tpu.memory_space<vmem>>, %arg10: memref<10240x128xf32, #tpu.memory_space<vmem_shared>>, %arg11: memref<!tpu.dma_semaphore, #tpu.memory_space<semaphore_mem>>, %arg12: memref<!tpu.dma_semaphore, #tpu.memory_space<semaphore_mem>>, %arg13: memref<!tpu.dma_semaphore, #tpu.memory_space<semaphore_mem>>, %arg14: memref<!tpu.dma_semaphore, #tpu.memory_space<semaphore_mem>>) attributes {dimension_semantics = [#tpu.dimension_semantics<core_parallel>, #tpu.dimension_semantics<subcore_parallel>], iteration_bounds = array<i64: 2, 16>, scalar_prefetch = 0 : i64, scratch_operands = 9 : i64, tpu.core_type = #tpu.core_type<sc_vector_subcore>, window_params = [{transform_indices = #map}, {transform_indices = #map1}, {transform_indices = #map1}, {transform_indices = #map2}]} {
    %broadcast_in_dim3A = arith.constant 0.000000e+00 : f32
    %broadcast_in_dim3A_0 = vector.broadcast %broadcast_in_dim3A : f32 to vector<16xf32>
    %scan3A = arith.constant 0 : i32
    %scan3A_1 = arith.constant 0 : i32
    %scan3A_2 = arith.constant 128 : i32
    %scan3A_3 = arith.addi %scan3A_1, %scan3A_2 : i32
    %scan3A_4 = arith.constant 1 : i32
    scf.for %scan3A_94 = %scan3A_1 to %scan3A_3 step %scan3A_4  : i32 {
      %swap3A = arith.index_cast %scan3A_94 : i32 to index
      %swap3A_95 = arith.constant 0 : index
      %swap3A_96 = tpu.vector_load %arg8[%swap3A, %swap3A_95] {strides = array<i32>} : memref<128x128xf32, #tpu.memory_space<vmem>>, vector<1x16xf32>,
      %swap3A_97 = vector.shape_cast %swap3A_96 : vector<1x16xf32> to vector<16xf32>
      %swap3A_98 = vector.shape_cast %broadcast_in_dim3A_0 : vector<16xf32> to vector<1x16xf32>
      tpu.vector_store %arg8[%swap3A, %swap3A_95], %swap3A_98 {strides = array<i32>} : memref<128x128xf32, #tpu.memory_space<vmem>>, vector<1x16xf32>,
      %swap3A_99 = arith.index_cast %scan3A_94 : i32 to index
      %swap3A_100 = arith.constant 16 : index
      %swap3A_101 = tpu.vector_load %arg8[%swap3A_99, %swap3A_100] {strides = array<i32>} : memref<128x128xf32, #tpu.memory_space<vmem>>, vector<1x16xf32>,
      %swap3A_102 = vector.shape_cast %swap3A_101 : vector<1x16xf32> to vector<16xf32>
      %swap3A_103 = vector.shape_cast %broadcast_in_dim3A_0 : vector<16xf32> to vector<1x16xf32>
      tpu.vector_store %arg8[%swap3A_99, %swap3A_100], %swap3A_103 {strides = array<i32>} : memref<128x128xf32, #tpu.memory_space<vmem>>, vector<1x16xf32>,
      %swap3A_104 = arith.index_cast %scan3A_94 : i32 to index
      %swap3A_105 = arith.constant 32 : index
      %swap3A_106 = tpu.vector_load %arg8[%swap3A_104, %swap3A_105] {strides = array<i32>} : memref<128x128xf32, #tpu.memory_space<vmem>>, vector<1x16xf32>,
      %swap3A_107 = vector.shape_cast %swap3A_106 : vector<1x16xf32> to vector<16xf32>
      %swap3A_108 = vector.shape_cast %broadcast_in_dim3A_0 : vector<16xf32> to vector<1x16xf32>
      tpu.vector_store %arg8[%swap3A_104, %swap3A_105], %swap3A_108 {strides = array<i32>} : memref<128x128xf32, #tpu.memory_space<vmem>>, vector<1x16xf32>,
      %swap3A_109 = arith.index_cast %scan3A_94 : i32 to index
      %swap3A_110 = arith.constant 48 : index
      %swap3A_111 = tpu.vector_load %arg8[%swap3A_109, %swap3A_110] {strides = array<i32>} : memref<128x128xf32, #tpu.memory_space<vmem>>, vector<1x16xf32>,
      %swap3A_112 = vector.shape_cast %swap3A_111 : vector<1x16xf32> to vector<16xf32>
      %swap3A_113 = vector.shape_cast %broadcast_in_dim3A_0 : vector<16xf32> to vector<1x16xf32>
      tpu.vector_store %arg8[%swap3A_109, %swap3A_110], %swap3A_113 {strides = array<i32>} : memref<128x128xf32, #tpu.memory_space<vmem>>, vector<1x16xf32>,
      %swap3A_114 = arith.index_cast %scan3A_94 : i32 to index
      %swap3A_115 = arith.constant 64 : index
      %swap3A_116 = tpu.vector_load %arg8[%swap3A_114, %swap3A_115] {strides = array<i32>} : memref<128x128xf32, #tpu.memory_space<vmem>>, vector<1x16xf32>,
      %swap3A_117 = vector.shape_cast %swap3A_116 : vector<1x16xf32> to vector<16xf32>
      %swap3A_118 = vector.shape_cast %broadcast_in_dim3A_0 : vector<16xf32> to vector<1x16xf32>
      tpu.vector_store %arg8[%swap3A_114, %swap3A_115], %swap3A_118 {strides = array<i32>} : memref<128x128xf32, #tpu.memory_space<vmem>>, vector<1x16xf32>,
      %swap3A_119 = arith.index_cast %scan3A_94 : i32 to index
      %swap3A_120 = arith.constant 80 : index
      %swap3A_121 = tpu.vector_load %arg8[%swap3A_119, %swap3A_120] {strides = array<i32>} : memref<128x128xf32, #tpu.memory_space<vmem>>, vector<1x16xf32>,
      %swap3A_122 = vector.shape_cast %swap3A_121 : vector<1x16xf32> to vector<16xf32>
      %swap3A_123 = vector.shape_cast %broadcast_in_dim3A_0 : vector<16xf32> to vector<1x16xf32>
      tpu.vector_store %arg8[%swap3A_119, %swap3A_120], %swap3A_123 {strides = array<i32>} : memref<128x128xf32, #tpu.memory_space<vmem>>, vector<1x16xf32>,
      %swap3A_124 = arith.index_cast %scan3A_94 : i32 to index
      %swap3A_125 = arith.constant 96 : index
      %swap3A_126 = tpu.vector_load %arg8[%swap3A_124, %swap3A_125] {strides = array<i32>} : memref<128x128xf32, #tpu.memory_space<vmem>>, vector<1x16xf32>,
      %swap3A_127 = vector.shape_cast %swap3A_126 : vector<1x16xf32> to vector<16xf32>
      %swap3A_128 = vector.shape_cast %broadcast_in_dim3A_0 : vector<16xf32> to vector<1x16xf32>
      tpu.vector_store %arg8[%swap3A_124, %swap3A_125], %swap3A_128 {strides = array<i32>} : memref<128x128xf32, #tpu.memory_space<vmem>>, vector<1x16xf32>,
      %swap3A_129 = arith.index_cast %scan3A_94 : i32 to index
      %swap3A_130 = arith.constant 112 : index
      %swap3A_131 = tpu.vector_load %arg8[%swap3A_129, %swap3A_130] {strides = array<i32>} : memref<128x128xf32, #tpu.memory_space<vmem>>, vector<1x16xf32>,
      %swap3A_132 = vector.shape_cast %swap3A_131 : vector<1x16xf32> to vector<16xf32>
      %swap3A_133 = vector.shape_cast %broadcast_in_dim3A_0 : vector<16xf32> to vector<1x16xf32>
      tpu.vector_store %arg8[%swap3A_129, %swap3A_130], %swap3A_133 {strides = array<i32>} : memref<128x128xf32, #tpu.memory_space<vmem>>, vector<1x16xf32>,
    }
    %scan3A_5 = arith.constant 128 : i32
    %mul3A = arith.constant 640 : i32
    %mul3A_6 = arith.muli %arg1, %mul3A : i32
    %add3A = arith.constant 0 : i32
    %add3A_7 = arith.addi %mul3A_6, %add3A : i32
    "tpu.region"() ({
      %run_scoped3A_94 = tpu.sem_alloc : memref<!tpu.dma_semaphore, #tpu.memory_space<semaphore_mem>>
      %dma_start3A_95 = arith.constant 0 : i32
      %dma_start3A_96 = tpu.memref_slice %arg10[%add3A_7, %dma_start3A_95] : memref<10240x128xf32, #tpu.memory_space<vmem_shared>> -> memref<128x128xf32, #tpu.memory_space<vmem_shared>>
      %dma_start3A_97 = arith.constant 0 : i32
      %dma_start3A_98 = tpu.memref_slice %arg10[%add3A_7, %dma_start3A_97] : memref<10240x128xf32, #tpu.memory_space<vmem_shared>> -> memref<128x128xf32, #tpu.memory_space<vmem_shared>>
      tpu.enqueue_dma source(%arg8 : memref<128x128xf32, #tpu.memory_space<vmem>>) target(%dma_start3A_98 : memref<128x128xf32, #tpu.memory_space<vmem_shared>>) target_semaphore(%run_scoped3A_94 : memref<!tpu.dma_semaphore, #tpu.memory_space<semaphore_mem>>)
      %dma_wait3A_99 = arith.constant 0 : i32
      %dma_wait3A_100 = tpu.memref_slice %arg10[%add3A_7, %dma_wait3A_99] : memref<10240x128xf32, #tpu.memory_space<vmem_shared>> -> memref<128x128xf32, #tpu.memory_space<vmem_shared>>
      %dma_wait3A_101 = arith.constant 0 : i32
      %dma_wait3A_102 = tpu.memref_slice %arg10[%add3A_7, %dma_wait3A_101] : memref<10240x128xf32, #tpu.memory_space<vmem_shared>> -> memref<128x128xf32, #tpu.memory_space<vmem_shared>>
      tpu.wait_dma2 semaphore(%run_scoped3A_94 : memref<!tpu.dma_semaphore, #tpu.memory_space<semaphore_mem>>) src(%arg8 : memref<128x128xf32, #tpu.memory_space<vmem>>) dst(%dma_wait3A_102 : memref<128x128xf32, #tpu.memory_space<vmem_shared>>)
      tpu.yield
    }) : () -> ()
    %mul3A_8 = arith.constant 640 : i32
    %mul3A_9 = arith.muli %arg1, %mul3A_8 : i32
    %add3A_10 = arith.constant 128 : i32
    %add3A_11 = arith.addi %mul3A_9, %add3A_10 : i32
    "tpu.region"() ({
      %run_scoped3A_94 = tpu.sem_alloc : memref<!tpu.dma_semaphore, #tpu.memory_space<semaphore_mem>>
      %dma_start3A_95 = arith.constant 0 : i32
      %dma_start3A_96 = tpu.memref_slice %arg10[%add3A_11, %dma_start3A_95] : memref<10240x128xf32, #tpu.memory_space<vmem_shared>> -> memref<128x128xf32, #tpu.memory_space<vmem_shared>>
      %dma_start3A_97 = arith.constant 0 : i32
      %dma_start3A_98 = tpu.memref_slice %arg10[%add3A_11, %dma_start3A_97] : memref<10240x128xf32, #tpu.memory_space<vmem_shared>> -> memref<128x128xf32, #tpu.memory_space<vmem_shared>>
      tpu.enqueue_dma source(%arg8 : memref<128x128xf32, #tpu.memory_space<vmem>>) target(%dma_start3A_98 : memref<128x128xf32, #tpu.memory_space<vmem_shared>>) target_semaphore(%run_scoped3A_94 : memref<!tpu.dma_semaphore, #tpu.memory_space<semaphore_mem>>)
      %dma_wait3A_99 = arith.constant 0 : i32
      %dma_wait3A_100 = tpu.memref_slice %arg10[%add3A_11, %dma_wait3A_99] : memref<10240x128xf32, #tpu.memory_space<vmem_shared>> -> memref<128x128xf32, #tpu.memory_space<vmem_shared>>
      %dma_wait3A_101 = arith.constant 0 : i32
      %dma_wait3A_102 = tpu.memref_slice %arg10[%add3A_11, %dma_wait3A_101] : memref<10240x128xf32, #tpu.memory_space<vmem_shared>> -> memref<128x128xf32, #tpu.memory_space<vmem_shared>>
      tpu.wait_dma2 semaphore(%run_scoped3A_94 : memref<!tpu.dma_semaphore, #tpu.memory_space<semaphore_mem>>) src(%arg8 : memref<128x128xf32, #tpu.memory_space<vmem>>) dst(%dma_wait3A_102 : memref<128x128xf32, #tpu.memory_space<vmem_shared>>)
      tpu.yield
    }) : () -> ()
    %mul3A_12 = arith.constant 640 : i32
    %mul3A_13 = arith.muli %arg1, %mul3A_12 : i32
    %add3A_14 = arith.constant 256 : i32
    %add3A_15 = arith.addi %mul3A_13, %add3A_14 : i32
    "tpu.region"() ({
      %run_scoped3A_94 = tpu.sem_alloc : memref<!tpu.dma_semaphore, #tpu.memory_space<semaphore_mem>>
      %dma_start3A_95 = arith.constant 0 : i32
      %dma_start3A_96 = tpu.memref_slice %arg10[%add3A_15, %dma_start3A_95] : memref<10240x128xf32, #tpu.memory_space<vmem_shared>> -> memref<128x128xf32, #tpu.memory_space<vmem_shared>>
      %dma_start3A_97 = arith.constant 0 : i32
      %dma_start3A_98 = tpu.memref_slice %arg10[%add3A_15, %dma_start3A_97] : memref<10240x128xf32, #tpu.memory_space<vmem_shared>> -> memref<128x128xf32, #tpu.memory_space<vmem_shared>>
      tpu.enqueue_dma source(%arg8 : memref<128x128xf32, #tpu.memory_space<vmem>>) target(%dma_start3A_98 : memref<128x128xf32, #tpu.memory_space<vmem_shared>>) target_semaphore(%run_scoped3A_94 : memref<!tpu.dma_semaphore, #tpu.memory_space<semaphore_mem>>)
      %dma_wait3A_99 = arith.constant 0 : i32
      %dma_wait3A_100 = tpu.memref_slice %arg10[%add3A_15, %dma_wait3A_99] : memref<10240x128xf32, #tpu.memory_space<vmem_shared>> -> memref<128x128xf32, #tpu.memory_space<vmem_shared>>
      %dma_wait3A_101 = arith.constant 0 : i32
      %dma_wait3A_102 = tpu.memref_slice %arg10[%add3A_15, %dma_wait3A_101] : memref<10240x128xf32, #tpu.memory_space<vmem_shared>> -> memref<128x128xf32, #tpu.memory_space<vmem_shared>>
      tpu.wait_dma2 semaphore(%run_scoped3A_94 : memref<!tpu.dma_semaphore, #tpu.memory_space<semaphore_mem>>) src(%arg8 : memref<128x128xf32, #tpu.memory_space<vmem>>) dst(%dma_wait3A_102 : memref<128x128xf32, #tpu.memory_space<vmem_shared>>)
      tpu.yield
    }) : () -> ()
    %mul3A_16 = arith.constant 640 : i32
    %mul3A_17 = arith.muli %arg1, %mul3A_16 : i32
    %add3A_18 = arith.constant 384 : i32
    %add3A_19 = arith.addi %mul3A_17, %add3A_18 : i32
    "tpu.region"() ({
      %run_scoped3A_94 = tpu.sem_alloc : memref<!tpu.dma_semaphore, #tpu.memory_space<semaphore_mem>>
      %dma_start3A_95 = arith.constant 0 : i32
      %dma_start3A_96 = tpu.memref_slice %arg10[%add3A_19, %dma_start3A_95] : memref<10240x128xf32, #tpu.memory_space<vmem_shared>> -> memref<128x128xf32, #tpu.memory_space<vmem_shared>>
      %dma_start3A_97 = arith.constant 0 : i32
      %dma_start3A_98 = tpu.memref_slice %arg10[%add3A_19, %dma_start3A_97] : memref<10240x128xf32, #tpu.memory_space<vmem_shared>> -> memref<128x128xf32, #tpu.memory_space<vmem_shared>>
      tpu.enqueue_dma source(%arg8 : memref<128x128xf32, #tpu.memory_space<vmem>>) target(%dma_start3A_98 : memref<128x128xf32, #tpu.memory_space<vmem_shared>>) target_semaphore(%run_scoped3A_94 : memref<!tpu.dma_semaphore, #tpu.memory_space<semaphore_mem>>)
      %dma_wait3A_99 = arith.constant 0 : i32
      %dma_wait3A_100 = tpu.memref_slice %arg10[%add3A_19, %dma_wait3A_99] : memref<10240x128xf32, #tpu.memory_space<vmem_shared>> -> memref<128x128xf32, #tpu.memory_space<vmem_shared>>
      %dma_wait3A_101 = arith.constant 0 : i32
      %dma_wait3A_102 = tpu.memref_slice %arg10[%add3A_19, %dma_wait3A_101] : memref<10240x128xf32, #tpu.memory_space<vmem_shared>> -> memref<128x128xf32, #tpu.memory_space<vmem_shared>>
      tpu.wait_dma2 semaphore(%run_scoped3A_94 : memref<!tpu.dma_semaphore, #tpu.memory_space<semaphore_mem>>) src(%arg8 : memref<128x128xf32, #tpu.memory_space<vmem>>) dst(%dma_wait3A_102 : memref<128x128xf32, #tpu.memory_space<vmem_shared>>)
      tpu.yield
    }) : () -> ()
    %mul3A_20 = arith.constant 640 : i32
    %mul3A_21 = arith.muli %arg1, %mul3A_20 : i32
    %add3A_22 = arith.constant 512 : i32
    %add3A_23 = arith.addi %mul3A_21, %add3A_22 : i32
    "tpu.region"() ({
      %run_scoped3A_94 = tpu.sem_alloc : memref<!tpu.dma_semaphore, #tpu.memory_space<semaphore_mem>>
      %dma_start3A_95 = arith.constant 0 : i32
      %dma_start3A_96 = tpu.memref_slice %arg10[%add3A_23, %dma_start3A_95] : memref<10240x128xf32, #tpu.memory_space<vmem_shared>> -> memref<128x128xf32, #tpu.memory_space<vmem_shared>>
      %dma_start3A_97 = arith.constant 0 : i32
      %dma_start3A_98 = tpu.memref_slice %arg10[%add3A_23, %dma_start3A_97] : memref<10240x128xf32, #tpu.memory_space<vmem_shared>> -> memref<128x128xf32, #tpu.memory_space<vmem_shared>>
      tpu.enqueue_dma source(%arg8 : memref<128x128xf32, #tpu.memory_space<vmem>>) target(%dma_start3A_98 : memref<128x128xf32, #tpu.memory_space<vmem_shared>>) target_semaphore(%run_scoped3A_94 : memref<!tpu.dma_semaphore, #tpu.memory_space<semaphore_mem>>)
      %dma_wait3A_99 = arith.constant 0 : i32
      %dma_wait3A_100 = tpu.memref_slice %arg10[%add3A_23, %dma_wait3A_99] : memref<10240x128xf32, #tpu.memory_space<vmem_shared>> -> memref<128x128xf32, #tpu.memory_space<vmem_shared>>
      %dma_wait3A_101 = arith.constant 0 : i32
      %dma_wait3A_102 = tpu.memref_slice %arg10[%add3A_23, %dma_wait3A_101] : memref<10240x128xf32, #tpu.memory_space<vmem_shared>> -> memref<128x128xf32, #tpu.memory_space<vmem_shared>>
      tpu.wait_dma2 semaphore(%run_scoped3A_94 : memref<!tpu.dma_semaphore, #tpu.memory_space<semaphore_mem>>) src(%arg8 : memref<128x128xf32, #tpu.memory_space<vmem>>) dst(%dma_wait3A_102 : memref<128x128xf32, #tpu.memory_space<vmem_shared>>)
      tpu.yield
    }) : () -> ()
    %barrier3A = arith.constant 0 : index
    tpu.barrier barrier_id(%barrier3A)
    %run_scoped3A = arith.constant 0 : i32
    "tpu.region"() ({
      %run_scoped3A_94 = tpu.sem_alloc : memref<!tpu.dma_semaphore, #tpu.memory_space<semaphore_mem>>
      %dma_start3A_95 = arith.constant 0 : i32
      %dma_start3A_96 = arith.constant 0 : i32
      %dma_start3A_97 = tpu.memref_slice %arg3[%arg0, %arg1, %run_scoped3A, %dma_start3A_95, %dma_start3A_96] : memref<2x16x2x40x128xi32, #tpu.memory_space<hbm>> -> memref<1x1x1x40x128xi32, #tpu.memory_space<hbm>>
      %dma_start3A_98 = tpu.memref_squeeze %dma_start3A_97 : memref<1x1x1x40x128xi32, #tpu.memory_space<hbm>> -> memref<40x128xi32, #tpu.memory_space<hbm>>
      %dma_start3A_99 = arith.constant 0 : i32
      %dma_start3A_100 = arith.constant 0 : i32
      %dma_start3A_101 = tpu.memref_slice %arg3[%arg0, %arg1, %run_scoped3A, %dma_start3A_99, %dma_start3A_100] : memref<2x16x2x40x128xi32, #tpu.memory_space<hbm>> -> memref<1x1x1x40x128xi32, #tpu.memory_space<hbm>>
      %dma_start3A_102 = tpu.memref_squeeze %dma_start3A_101 : memref<1x1x1x40x128xi32, #tpu.memory_space<hbm>> -> memref<40x128xi32, #tpu.memory_space<hbm>>
      tpu.enqueue_dma source(%dma_start3A_102 : memref<40x128xi32, #tpu.memory_space<hbm>>) target(%arg6 : memref<40x128xi32, #tpu.memory_space<vmem>>) target_semaphore(%run_scoped3A_94 : memref<!tpu.dma_semaphore, #tpu.memory_space<semaphore_mem>>)
      %dma_wait3A_103 = arith.constant 0 : i32
      %dma_wait3A_104 = arith.constant 0 : i32
      %dma_wait3A_105 = tpu.memref_slice %arg3[%arg0, %arg1, %run_scoped3A, %dma_wait3A_103, %dma_wait3A_104] : memref<2x16x2x40x128xi32, #tpu.memory_space<hbm>> -> memref<1x1x1x40x128xi32, #tpu.memory_space<hbm>>
      %dma_wait3A_106 = tpu.memref_squeeze %dma_wait3A_105 : memref<1x1x1x40x128xi32, #tpu.memory_space<hbm>> -> memref<40x128xi32, #tpu.memory_space<hbm>>
      %dma_wait3A_107 = arith.constant 0 : i32
      %dma_wait3A_108 = arith.constant 0 : i32
      %dma_wait3A_109 = tpu.memref_slice %arg3[%arg0, %arg1, %run_scoped3A, %dma_wait3A_107, %dma_wait3A_108] : memref<2x16x2x40x128xi32, #tpu.memory_space<hbm>> -> memref<1x1x1x40x128xi32, #tpu.memory_space<hbm>>
      %dma_wait3A_110 = tpu.memref_squeeze %dma_wait3A_109 : memref<1x1x1x40x128xi32, #tpu.memory_space<hbm>> -> memref<40x128xi32, #tpu.memory_space<hbm>>
      tpu.wait_dma2 semaphore(%run_scoped3A_94 : memref<!tpu.dma_semaphore, #tpu.memory_space<semaphore_mem>>) src(%dma_wait3A_110 : memref<40x128xi32, #tpu.memory_space<hbm>>) dst(%arg6 : memref<40x128xi32, #tpu.memory_space<vmem>>)
      tpu.yield
    }) : () -> ()
    %run_scoped3A_24 = arith.constant 0 : i32
    "tpu.region"() ({
      %run_scoped3A_94 = tpu.sem_alloc : memref<!tpu.dma_semaphore, #tpu.memory_space<semaphore_mem>>
      %dma_start3A_95 = arith.constant 0 : i32
      %dma_start3A_96 = arith.constant 0 : i32
      %dma_start3A_97 = tpu.memref_slice %arg4[%arg0, %arg1, %run_scoped3A_24, %dma_start3A_95, %dma_start3A_96] : memref<2x16x2x40x128xi32, #tpu.memory_space<hbm>> -> memref<1x1x1x40x128xi32, #tpu.memory_space<hbm>>
      %dma_start3A_98 = tpu.memref_squeeze %dma_start3A_97 : memref<1x1x1x40x128xi32, #tpu.memory_space<hbm>> -> memref<40x128xi32, #tpu.memory_space<hbm>>
      %dma_start3A_99 = arith.constant 0 : i32
      %dma_start3A_100 = arith.constant 0 : i32
      %dma_start3A_101 = tpu.memref_slice %arg4[%arg0, %arg1, %run_scoped3A_24, %dma_start3A_99, %dma_start3A_100] : memref<2x16x2x40x128xi32, #tpu.memory_space<hbm>> -> memref<1x1x1x40x128xi32, #tpu.memory_space<hbm>>
      %dma_start3A_102 = tpu.memref_squeeze %dma_start3A_101 : memref<1x1x1x40x128xi32, #tpu.memory_space<hbm>> -> memref<40x128xi32, #tpu.memory_space<hbm>>
      tpu.enqueue_dma source(%dma_start3A_102 : memref<40x128xi32, #tpu.memory_space<hbm>>) target(%arg7 : memref<40x128xi32, #tpu.memory_space<vmem>>) target_semaphore(%run_scoped3A_94 : memref<!tpu.dma_semaphore, #tpu.memory_space<semaphore_mem>>)
      %dma_wait3A_103 = arith.constant 0 : i32
      %dma_wait3A_104 = arith.constant 0 : i32
      %dma_wait3A_105 = tpu.memref_slice %arg4[%arg0, %arg1, %run_scoped3A_24, %dma_wait3A_103, %dma_wait3A_104] : memref<2x16x2x40x128xi32, #tpu.memory_space<hbm>> -> memref<1x1x1x40x128xi32, #tpu.memory_space<hbm>>
      %dma_wait3A_106 = tpu.memref_squeeze %dma_wait3A_105 : memref<1x1x1x40x128xi32, #tpu.memory_space<hbm>> -> memref<40x128xi32, #tpu.memory_space<hbm>>
      %dma_wait3A_107 = arith.constant 0 : i32
      %dma_wait3A_108 = arith.constant 0 : i32
      %dma_wait3A_109 = tpu.memref_slice %arg4[%arg0, %arg1, %run_scoped3A_24, %dma_wait3A_107, %dma_wait3A_108] : memref<2x16x2x40x128xi32, #tpu.memory_space<hbm>> -> memref<1x1x1x40x128xi32, #tpu.memory_space<hbm>>
      %dma_wait3A_110 = tpu.memref_squeeze %dma_wait3A_109 : memref<1x1x1x40x128xi32, #tpu.memory_space<hbm>> -> memref<40x128xi32, #tpu.memory_space<hbm>>
      tpu.wait_dma2 semaphore(%run_scoped3A_94 : memref<!tpu.dma_semaphore, #tpu.memory_space<semaphore_mem>>) src(%dma_wait3A_110 : memref<40x128xi32, #tpu.memory_space<hbm>>) dst(%arg7 : memref<40x128xi32, #tpu.memory_space<vmem>>)
      tpu.yield
    }) : () -> ()
    %dma_start3A = arith.constant 0 : i32
    %dma_start3A_25 = arith.constant 0 : i32
    %dma_start3A_26 = tpu.memref_slice %arg6[%dma_start3A, %dma_start3A_25] : memref<40x128xi32, #tpu.memory_space<vmem>> -> memref<1x128xi32, #tpu.memory_space<vmem>>
    %dma_start3A_27 = tpu.memref_squeeze %dma_start3A_26 : memref<1x128xi32, #tpu.memory_space<vmem>> -> memref<128xi32, #tpu.memory_space<vmem>>
    %dma_start3A_28 = arith.constant 0 : i32
    %dma_start3A_29 = arith.constant 0 : i32
    %dma_start3A_30 = tpu.memref_slice %arg2[%dma_start3A_28, %dma_start3A_29] : memref<10000x128xf32, #tpu.memory_space<hbm>> -> memref<10000x128xf32, #tpu.memory_space<hbm>>
    tpu.enqueue_indirect_dma source(%dma_start3A_30 : memref<10000x128xf32, #tpu.memory_space<hbm>>) target(%arg8 : memref<128x128xf32, #tpu.memory_space<vmem>>) offsets(%dma_start3A_27 : memref<128xi32, #tpu.memory_space<vmem>>) semaphore(%arg11 : memref<!tpu.dma_semaphore, #tpu.memory_space<semaphore_mem>>)
    %dma_start3A_31 = arith.constant 1 : i32
    %dma_start3A_32 = arith.constant 0 : i32
    %dma_start3A_33 = tpu.memref_slice %arg6[%dma_start3A_31, %dma_start3A_32] : memref<40x128xi32, #tpu.memory_space<vmem>> -> memref<1x128xi32, #tpu.memory_space<vmem>>
    %dma_start3A_34 = tpu.memref_squeeze %dma_start3A_33 : memref<1x128xi32, #tpu.memory_space<vmem>> -> memref<128xi32, #tpu.memory_space<vmem>>
    %dma_start3A_35 = arith.constant 0 : i32
    %dma_start3A_36 = arith.constant 0 : i32
    %dma_start3A_37 = tpu.memref_slice %arg2[%dma_start3A_35, %dma_start3A_36] : memref<10000x128xf32, #tpu.memory_space<hbm>> -> memref<10000x128xf32, #tpu.memory_space<hbm>>
    tpu.enqueue_indirect_dma source(%dma_start3A_37 : memref<10000x128xf32, #tpu.memory_space<hbm>>) target(%arg9 : memref<128x128xf32, #tpu.memory_space<vmem>>) offsets(%dma_start3A_34 : memref<128xi32, #tpu.memory_space<vmem>>) semaphore(%arg12 : memref<!tpu.dma_semaphore, #tpu.memory_space<semaphore_mem>>)
    %scan3A_38 = arith.constant 0 : i32
    %scan3A_39 = arith.constant 0 : i32
    %scan3A_40 = arith.constant 20 : i32
    %scan3A_41 = arith.addi %scan3A_39, %scan3A_40 : i32
    %scan3A_42 = arith.constant 1 : i32
    scf.for %scan3A_94 = %scan3A_39 to %scan3A_41 step %scan3A_42  : i32 {
      %mul3A_95 = arith.constant 2 : i32
      %mul3A_96 = arith.muli %mul3A_95, %scan3A_94 : i32
      %dma_wait3A_97 = arith.constant 0 : i32
      %dma_wait3A_98 = arith.constant 0 : i32
      %dma_wait3A_99 = tpu.memref_slice %arg2[%dma_wait3A_97, %dma_wait3A_98] : memref<10000x128xf32, #tpu.memory_space<hbm>> -> memref<128x128xf32, #tpu.memory_space<hbm>>
      %dma_wait3A_100 = arith.constant 0 : i32
      %dma_wait3A_101 = arith.constant 0 : i32
      %dma_wait3A_102 = tpu.memref_slice %arg2[%dma_wait3A_100, %dma_wait3A_101] : memref<10000x128xf32, #tpu.memory_space<hbm>> -> memref<128x128xf32, #tpu.memory_space<hbm>>
      tpu.wait_dma2 semaphore(%arg11 : memref<!tpu.dma_semaphore, #tpu.memory_space<semaphore_mem>>) src(%dma_wait3A_102 : memref<128x128xf32, #tpu.memory_space<hbm>>) dst(%arg8 : memref<128x128xf32, #tpu.memory_space<vmem>>)
      %dma_start3A_103 = arith.constant 0 : i32
      %dma_start3A_104 = tpu.memref_slice %arg7[%mul3A_96, %dma_start3A_103] : memref<40x128xi32, #tpu.memory_space<vmem>> -> memref<1x128xi32, #tpu.memory_space<vmem>>
      %dma_start3A_105 = tpu.memref_squeeze %dma_start3A_104 : memref<1x128xi32, #tpu.memory_space<vmem>> -> memref<128xi32, #tpu.memory_space<vmem>>
      %dma_start3A_106 = arith.constant 0 : i32
      %dma_start3A_107 = arith.constant 0 : i32
      %dma_start3A_108 = tpu.memref_slice %arg10[%dma_start3A_106, %dma_start3A_107] : memref<10240x128xf32, #tpu.memory_space<vmem_shared>> -> memref<10240x128xf32, #tpu.memory_space<vmem_shared>>
      tpu.enqueue_indirect_dma source(%arg8 : memref<128x128xf32, #tpu.memory_space<vmem>>) target(%dma_start3A_108 : memref<10240x128xf32, #tpu.memory_space<vmem_shared>>) offsets(%dma_start3A_105 : memref<128xi32, #tpu.memory_space<vmem>>) semaphore(%arg13 : memref<!tpu.dma_semaphore, #tpu.memory_space<semaphore_mem>>) {add = true}
      %dma_wait3A_109 = arith.constant 0 : i32
      %dma_wait3A_110 = arith.constant 0 : i32
      %dma_wait3A_111 = tpu.memref_slice %arg2[%dma_wait3A_109, %dma_wait3A_110] : memref<10000x128xf32, #tpu.memory_space<hbm>> -> memref<128x128xf32, #tpu.memory_space<hbm>>
      %dma_wait3A_112 = arith.constant 0 : i32
      %dma_wait3A_113 = arith.constant 0 : i32
      %dma_wait3A_114 = tpu.memref_slice %arg2[%dma_wait3A_112, %dma_wait3A_113] : memref<10000x128xf32, #tpu.memory_space<hbm>> -> memref<128x128xf32, #tpu.memory_space<hbm>>
      tpu.wait_dma2 semaphore(%arg12 : memref<!tpu.dma_semaphore, #tpu.memory_space<semaphore_mem>>) src(%dma_wait3A_114 : memref<128x128xf32, #tpu.memory_space<hbm>>) dst(%arg9 : memref<128x128xf32, #tpu.memory_space<vmem>>)
      %add3A_115 = arith.constant 1 : i32
      %add3A_116 = arith.addi %mul3A_96, %add3A_115 : i32
      %dma_start3A_117 = arith.constant 0 : i32
      %dma_start3A_118 = tpu.memref_slice %arg7[%add3A_116, %dma_start3A_117] : memref<40x128xi32, #tpu.memory_space<vmem>> -> memref<1x128xi32, #tpu.memory_space<vmem>>
      %dma_start3A_119 = tpu.memref_squeeze %dma_start3A_118 : memref<1x128xi32, #tpu.memory_space<vmem>> -> memref<128xi32, #tpu.memory_space<vmem>>
      %dma_start3A_120 = arith.constant 0 : i32
      %dma_start3A_121 = arith.constant 0 : i32
      %dma_start3A_122 = tpu.memref_slice %arg10[%dma_start3A_120, %dma_start3A_121] : memref<10240x128xf32, #tpu.memory_space<vmem_shared>> -> memref<10240x128xf32, #tpu.memory_space<vmem_shared>>
      tpu.enqueue_indirect_dma source(%arg9 : memref<128x128xf32, #tpu.memory_space<vmem>>) target(%dma_start3A_122 : memref<10240x128xf32, #tpu.memory_space<vmem_shared>>) offsets(%dma_start3A_119 : memref<128xi32, #tpu.memory_space<vmem>>) semaphore(%arg14 : memref<!tpu.dma_semaphore, #tpu.memory_space<semaphore_mem>>) {add = true}
      %dma_wait3A_123 = arith.constant 0 : i32
      %dma_wait3A_124 = arith.constant 0 : i32
      %dma_wait3A_125 = tpu.memref_slice %arg2[%dma_wait3A_123, %dma_wait3A_124] : memref<10000x128xf32, #tpu.memory_space<hbm>> -> memref<128x128xf32, #tpu.memory_space<hbm>>
      %dma_wait3A_126 = arith.constant 0 : i32
      %dma_wait3A_127 = arith.constant 0 : i32
      %dma_wait3A_128 = tpu.memref_slice %arg2[%dma_wait3A_126, %dma_wait3A_127] : memref<10000x128xf32, #tpu.memory_space<hbm>> -> memref<128x128xf32, #tpu.memory_space<hbm>>
      tpu.wait_dma2 semaphore(%arg13 : memref<!tpu.dma_semaphore, #tpu.memory_space<semaphore_mem>>) src(%dma_wait3A_128 : memref<128x128xf32, #tpu.memory_space<hbm>>) dst(%arg8 : memref<128x128xf32, #tpu.memory_space<vmem>>)
      %add3A_129 = arith.constant 2 : i32
      %add3A_130 = arith.addi %mul3A_96, %add3A_129 : i32
      %jit3A = arith.constant 40 : i32
      %eq3A = arith.constant 0 : i32
      %eq3A_131 = arith.cmpi eq, %jit3A, %eq3A : i32
      %jit3A_132 = arith.constant 1 : i32
      %select_n3A = arith.select %eq3A_131, %jit3A_132, %jit3A : i32
      %rem3A = arith.remsi %add3A_130, %select_n3A : i32
      %ne3A = arith.constant 0 : i32
      %ne3A_133 = arith.cmpi ne, %rem3A, %ne3A : i32
      %lt3A = arith.constant 0 : i32
      %lt3A_134 = arith.cmpi slt, %rem3A, %lt3A : i32
      %lt3A_135 = arith.constant 0 : i32
      %lt3A_136 = arith.cmpi slt, %select_n3A, %lt3A_135 : i32
      %ne3A_137 = arith.xori %lt3A_134, %lt3A_136 : i1
      %and3A = arith.andi %ne3A_137, %ne3A_133 : i1
      %add3A_138 = arith.addi %rem3A, %select_n3A : i32
      %select_n3A_139 = arith.select %and3A, %add3A_138, %rem3A : i32
      %dma_start3A_140 = arith.constant 0 : i32
      %dma_start3A_141 = tpu.memref_slice %arg6[%select_n3A_139, %dma_start3A_140] : memref<40x128xi32, #tpu.memory_space<vmem>> -> memref<1x128xi32, #tpu.memory_space<vmem>>
      %dma_start3A_142 = tpu.memref_squeeze %dma_start3A_141 : memref<1x128xi32, #tpu.memory_space<vmem>> -> memref<128xi32, #tpu.memory_space<vmem>>
      %dma_start3A_143 = arith.constant 0 : i32
      %dma_start3A_144 = arith.constant 0 : i32
      %dma_start3A_145 = tpu.memref_slice %arg2[%dma_start3A_143, %dma_start3A_144] : memref<10000x128xf32, #tpu.memory_space<hbm>> -> memref<10000x128xf32, #tpu.memory_space<hbm>>
      tpu.enqueue_indirect_dma source(%dma_start3A_145 : memref<10000x128xf32, #tpu.memory_space<hbm>>) target(%arg8 : memref<128x128xf32, #tpu.memory_space<vmem>>) offsets(%dma_start3A_142 : memref<128xi32, #tpu.memory_space<vmem>>) semaphore(%arg11 : memref<!tpu.dma_semaphore, #tpu.memory_space<semaphore_mem>>)
      %dma_wait3A_146 = arith.constant 0 : i32
      %dma_wait3A_147 = arith.constant 0 : i32
      %dma_wait3A_148 = tpu.memref_slice %arg2[%dma_wait3A_146, %dma_wait3A_147] : memref<10000x128xf32, #tpu.memory_space<hbm>> -> memref<128x128xf32, #tpu.memory_space<hbm>>
      %dma_wait3A_149 = arith.constant 0 : i32
      %dma_wait3A_150 = arith.constant 0 : i32
      %dma_wait3A_151 = tpu.memref_slice %arg2[%dma_wait3A_149, %dma_wait3A_150] : memref<10000x128xf32, #tpu.memory_space<hbm>> -> memref<128x128xf32, #tpu.memory_space<hbm>>
      tpu.wait_dma2 semaphore(%arg14 : memref<!tpu.dma_semaphore, #tpu.memory_space<semaphore_mem>>) src(%dma_wait3A_151 : memref<128x128xf32, #tpu.memory_space<hbm>>) dst(%arg9 : memref<128x128xf32, #tpu.memory_space<vmem>>)
      %add3A_152 = arith.constant 3 : i32
      %add3A_153 = arith.addi %mul3A_96, %add3A_152 : i32
      %jit3A_154 = arith.constant 40 : i32
      %eq3A_155 = arith.constant 0 : i32
      %eq3A_156 = arith.cmpi eq, %jit3A_154, %eq3A_155 : i32
      %jit3A_157 = arith.constant 1 : i32
      %select_n3A_158 = arith.select %eq3A_156, %jit3A_157, %jit3A_154 : i32
      %rem3A_159 = arith.remsi %add3A_153, %select_n3A_158 : i32
      %ne3A_160 = arith.constant 0 : i32
      %ne3A_161 = arith.cmpi ne, %rem3A_159, %ne3A_160 : i32
      %lt3A_162 = arith.constant 0 : i32
      %lt3A_163 = arith.cmpi slt, %rem3A_159, %lt3A_162 : i32
      %lt3A_164 = arith.constant 0 : i32
      %lt3A_165 = arith.cmpi slt, %select_n3A_158, %lt3A_164 : i32
      %ne3A_166 = arith.xori %lt3A_163, %lt3A_165 : i1
      %and3A_167 = arith.andi %ne3A_166, %ne3A_161 : i1
      %add3A_168 = arith.addi %rem3A_159, %select_n3A_158 : i32
      %select_n3A_169 = arith.select %and3A_167, %add3A_168, %rem3A_159 : i32
      %dma_start3A_170 = arith.constant 0 : i32
      %dma_start3A_171 = tpu.memref_slice %arg6[%select_n3A_169, %dma_start3A_170] : memref<40x128xi32, #tpu.memory_space<vmem>> -> memref<1x128xi32, #tpu.memory_space<vmem>>
      %dma_start3A_172 = tpu.memref_squeeze %dma_start3A_171 : memref<1x128xi32, #tpu.memory_space<vmem>> -> memref<128xi32, #tpu.memory_space<vmem>>
      %dma_start3A_173 = arith.constant 0 : i32
      %dma_start3A_174 = arith.constant 0 : i32
      %dma_start3A_175 = tpu.memref_slice %arg2[%dma_start3A_173, %dma_start3A_174] : memref<10000x128xf32, #tpu.memory_space<hbm>> -> memref<10000x128xf32, #tpu.memory_space<hbm>>
      tpu.enqueue_indirect_dma source(%dma_start3A_175 : memref<10000x128xf32, #tpu.memory_space<hbm>>) target(%arg9 : memref<128x128xf32, #tpu.memory_space<vmem>>) offsets(%dma_start3A_172 : memref<128xi32, #tpu.memory_space<vmem>>) semaphore(%arg12 : memref<!tpu.dma_semaphore, #tpu.memory_space<semaphore_mem>>)
    }
    %scan3A_43 = arith.constant 20 : i32
    %dma_wait3A = arith.constant 0 : i32
    %dma_wait3A_44 = arith.constant 0 : i32
    %dma_wait3A_45 = tpu.memref_slice %arg2[%dma_wait3A, %dma_wait3A_44] : memref<10000x128xf32, #tpu.memory_space<hbm>> -> memref<128x128xf32, #tpu.memory_space<hbm>>
    %dma_wait3A_46 = arith.constant 0 : i32
    %dma_wait3A_47 = arith.constant 0 : i32
    %dma_wait3A_48 = tpu.memref_slice %arg2[%dma_wait3A_46, %dma_wait3A_47] : memref<10000x128xf32, #tpu.memory_space<hbm>> -> memref<128x128xf32, #tpu.memory_space<hbm>>
    tpu.wait_dma2 semaphore(%arg11 : memref<!tpu.dma_semaphore, #tpu.memory_space<semaphore_mem>>) src(%dma_wait3A_48 : memref<128x128xf32, #tpu.memory_space<hbm>>) dst(%arg8 : memref<128x128xf32, #tpu.memory_space<vmem>>)
    %dma_wait3A_49 = arith.constant 0 : i32
    %dma_wait3A_50 = arith.constant 0 : i32
    %dma_wait3A_51 = tpu.memref_slice %arg2[%dma_wait3A_49, %dma_wait3A_50] : memref<10000x128xf32, #tpu.memory_space<hbm>> -> memref<128x128xf32, #tpu.memory_space<hbm>>
    %dma_wait3A_52 = arith.constant 0 : i32
    %dma_wait3A_53 = arith.constant 0 : i32
    %dma_wait3A_54 = tpu.memref_slice %arg2[%dma_wait3A_52, %dma_wait3A_53] : memref<10000x128xf32, #tpu.memory_space<hbm>> -> memref<128x128xf32, #tpu.memory_space<hbm>>
    tpu.wait_dma2 semaphore(%arg12 : memref<!tpu.dma_semaphore, #tpu.memory_space<semaphore_mem>>) src(%dma_wait3A_54 : memref<128x128xf32, #tpu.memory_space<hbm>>) dst(%arg9 : memref<128x128xf32, #tpu.memory_space<vmem>>)
    %run_scoped3A_55 = arith.constant 1 : i32
    "tpu.region"() ({
      %run_scoped3A_94 = tpu.sem_alloc : memref<!tpu.dma_semaphore, #tpu.memory_space<semaphore_mem>>
      %dma_start3A_95 = arith.constant 0 : i32
      %dma_start3A_96 = arith.constant 0 : i32
      %dma_start3A_97 = tpu.memref_slice %arg3[%arg0, %arg1, %run_scoped3A_55, %dma_start3A_95, %dma_start3A_96] : memref<2x16x2x40x128xi32, #tpu.memory_space<hbm>> -> memref<1x1x1x40x128xi32, #tpu.memory_space<hbm>>
      %dma_start3A_98 = tpu.memref_squeeze %dma_start3A_97 : memref<1x1x1x40x128xi32, #tpu.memory_space<hbm>> -> memref<40x128xi32, #tpu.memory_space<hbm>>
      %dma_start3A_99 = arith.constant 0 : i32
      %dma_start3A_100 = arith.constant 0 : i32
      %dma_start3A_101 = tpu.memref_slice %arg3[%arg0, %arg1, %run_scoped3A_55, %dma_start3A_99, %dma_start3A_100] : memref<2x16x2x40x128xi32, #tpu.memory_space<hbm>> -> memref<1x1x1x40x128xi32, #tpu.memory_space<hbm>>
      %dma_start3A_102 = tpu.memref_squeeze %dma_start3A_101 : memref<1x1x1x40x128xi32, #tpu.memory_space<hbm>> -> memref<40x128xi32, #tpu.memory_space<hbm>>
      tpu.enqueue_dma source(%dma_start3A_102 : memref<40x128xi32, #tpu.memory_space<hbm>>) target(%arg6 : memref<40x128xi32, #tpu.memory_space<vmem>>) target_semaphore(%run_scoped3A_94 : memref<!tpu.dma_semaphore, #tpu.memory_space<semaphore_mem>>)
      %dma_wait3A_103 = arith.constant 0 : i32
      %dma_wait3A_104 = arith.constant 0 : i32
      %dma_wait3A_105 = tpu.memref_slice %arg3[%arg0, %arg1, %run_scoped3A_55, %dma_wait3A_103, %dma_wait3A_104] : memref<2x16x2x40x128xi32, #tpu.memory_space<hbm>> -> memref<1x1x1x40x128xi32, #tpu.memory_space<hbm>>
      %dma_wait3A_106 = tpu.memref_squeeze %dma_wait3A_105 : memref<1x1x1x40x128xi32, #tpu.memory_space<hbm>> -> memref<40x128xi32, #tpu.memory_space<hbm>>
      %dma_wait3A_107 = arith.constant 0 : i32
      %dma_wait3A_108 = arith.constant 0 : i32
      %dma_wait3A_109 = tpu.memref_slice %arg3[%arg0, %arg1, %run_scoped3A_55, %dma_wait3A_107, %dma_wait3A_108] : memref<2x16x2x40x128xi32, #tpu.memory_space<hbm>> -> memref<1x1x1x40x128xi32, #tpu.memory_space<hbm>>
      %dma_wait3A_110 = tpu.memref_squeeze %dma_wait3A_109 : memref<1x1x1x40x128xi32, #tpu.memory_space<hbm>> -> memref<40x128xi32, #tpu.memory_space<hbm>>
      tpu.wait_dma2 semaphore(%run_scoped3A_94 : memref<!tpu.dma_semaphore, #tpu.memory_space<semaphore_mem>>) src(%dma_wait3A_110 : memref<40x128xi32, #tpu.memory_space<hbm>>) dst(%arg6 : memref<40x128xi32, #tpu.memory_space<vmem>>)
      tpu.yield
    }) : () -> ()
    %run_scoped3A_56 = arith.constant 1 : i32
    "tpu.region"() ({
      %run_scoped3A_94 = tpu.sem_alloc : memref<!tpu.dma_semaphore, #tpu.memory_space<semaphore_mem>>
      %dma_start3A_95 = arith.constant 0 : i32
      %dma_start3A_96 = arith.constant 0 : i32
      %dma_start3A_97 = tpu.memref_slice %arg4[%arg0, %arg1, %run_scoped3A_56, %dma_start3A_95, %dma_start3A_96] : memref<2x16x2x40x128xi32, #tpu.memory_space<hbm>> -> memref<1x1x1x40x128xi32, #tpu.memory_space<hbm>>
      %dma_start3A_98 = tpu.memref_squeeze %dma_start3A_97 : memref<1x1x1x40x128xi32, #tpu.memory_space<hbm>> -> memref<40x128xi32, #tpu.memory_space<hbm>>
      %dma_start3A_99 = arith.constant 0 : i32
      %dma_start3A_100 = arith.constant 0 : i32
      %dma_start3A_101 = tpu.memref_slice %arg4[%arg0, %arg1, %run_scoped3A_56, %dma_start3A_99, %dma_start3A_100] : memref<2x16x2x40x128xi32, #tpu.memory_space<hbm>> -> memref<1x1x1x40x128xi32, #tpu.memory_space<hbm>>
      %dma_start3A_102 = tpu.memref_squeeze %dma_start3A_101 : memref<1x1x1x40x128xi32, #tpu.memory_space<hbm>> -> memref<40x128xi32, #tpu.memory_space<hbm>>
      tpu.enqueue_dma source(%dma_start3A_102 : memref<40x128xi32, #tpu.memory_space<hbm>>) target(%arg7 : memref<40x128xi32, #tpu.memory_space<vmem>>) target_semaphore(%run_scoped3A_94 : memref<!tpu.dma_semaphore, #tpu.memory_space<semaphore_mem>>)
      %dma_wait3A_103 = arith.constant 0 : i32
      %dma_wait3A_104 = arith.constant 0 : i32
      %dma_wait3A_105 = tpu.memref_slice %arg4[%arg0, %arg1, %run_scoped3A_56, %dma_wait3A_103, %dma_wait3A_104] : memref<2x16x2x40x128xi32, #tpu.memory_space<hbm>> -> memref<1x1x1x40x128xi32, #tpu.memory_space<hbm>>
      %dma_wait3A_106 = tpu.memref_squeeze %dma_wait3A_105 : memref<1x1x1x40x128xi32, #tpu.memory_space<hbm>> -> memref<40x128xi32, #tpu.memory_space<hbm>>
      %dma_wait3A_107 = arith.constant 0 : i32
      %dma_wait3A_108 = arith.constant 0 : i32
      %dma_wait3A_109 = tpu.memref_slice %arg4[%arg0, %arg1, %run_scoped3A_56, %dma_wait3A_107, %dma_wait3A_108] : memref<2x16x2x40x128xi32, #tpu.memory_space<hbm>> -> memref<1x1x1x40x128xi32, #tpu.memory_space<hbm>>
      %dma_wait3A_110 = tpu.memref_squeeze %dma_wait3A_109 : memref<1x1x1x40x128xi32, #tpu.memory_space<hbm>> -> memref<40x128xi32, #tpu.memory_space<hbm>>
      tpu.wait_dma2 semaphore(%run_scoped3A_94 : memref<!tpu.dma_semaphore, #tpu.memory_space<semaphore_mem>>) src(%dma_wait3A_110 : memref<40x128xi32, #tpu.memory_space<hbm>>) dst(%arg7 : memref<40x128xi32, #tpu.memory_space<vmem>>)
      tpu.yield
    }) : () -> ()
    %dma_start3A_57 = arith.constant 0 : i32
    %dma_start3A_58 = arith.constant 0 : i32
    %dma_start3A_59 = tpu.memref_slice %arg6[%dma_start3A_57, %dma_start3A_58] : memref<40x128xi32, #tpu.memory_space<vmem>> -> memref<1x128xi32, #tpu.memory_space<vmem>>
    %dma_start3A_60 = tpu.memref_squeeze %dma_start3A_59 : memref<1x128xi32, #tpu.memory_space<vmem>> -> memref<128xi32, #tpu.memory_space<vmem>>
    %dma_start3A_61 = arith.constant 0 : i32
    %dma_start3A_62 = arith.constant 0 : i32
    %dma_start3A_63 = tpu.memref_slice %arg2[%dma_start3A_61, %dma_start3A_62] : memref<10000x128xf32, #tpu.memory_space<hbm>> -> memref<10000x128xf32, #tpu.memory_space<hbm>>
    tpu.enqueue_indirect_dma source(%dma_start3A_63 : memref<10000x128xf32, #tpu.memory_space<hbm>>) target(%arg8 : memref<128x128xf32, #tpu.memory_space<vmem>>) offsets(%dma_start3A_60 : memref<128xi32, #tpu.memory_space<vmem>>) semaphore(%arg11 : memref<!tpu.dma_semaphore, #tpu.memory_space<semaphore_mem>>)
    %dma_start3A_64 = arith.constant 1 : i32
    %dma_start3A_65 = arith.constant 0 : i32
    %dma_start3A_66 = tpu.memref_slice %arg6[%dma_start3A_64, %dma_start3A_65] : memref<40x128xi32, #tpu.memory_space<vmem>> -> memref<1x128xi32, #tpu.memory_space<vmem>>
    %dma_start3A_67 = tpu.memref_squeeze %dma_start3A_66 : memref<1x128xi32, #tpu.memory_space<vmem>> -> memref<128xi32, #tpu.memory_space<vmem>>
    %dma_start3A_68 = arith.constant 0 : i32
    %dma_start3A_69 = arith.constant 0 : i32
    %dma_start3A_70 = tpu.memref_slice %arg2[%dma_start3A_68, %dma_start3A_69] : memref<10000x128xf32, #tpu.memory_space<hbm>> -> memref<10000x128xf32, #tpu.memory_space<hbm>>
    tpu.enqueue_indirect_dma source(%dma_start3A_70 : memref<10000x128xf32, #tpu.memory_space<hbm>>) target(%arg9 : memref<128x128xf32, #tpu.memory_space<vmem>>) offsets(%dma_start3A_67 : memref<128xi32, #tpu.memory_space<vmem>>) semaphore(%arg12 : memref<!tpu.dma_semaphore, #tpu.memory_space<semaphore_mem>>)
    %scan3A_71 = arith.constant 0 : i32
    %scan3A_72 = arith.constant 0 : i32
    %scan3A_73 = arith.constant 20 : i32
    %scan3A_74 = arith.addi %scan3A_72, %scan3A_73 : i32
    %scan3A_75 = arith.constant 1 : i32
    scf.for %scan3A_94 = %scan3A_72 to %scan3A_74 step %scan3A_75  : i32 {
      %mul3A_95 = arith.constant 2 : i32
      %mul3A_96 = arith.muli %mul3A_95, %scan3A_94 : i32
      %dma_wait3A_97 = arith.constant 0 : i32
      %dma_wait3A_98 = arith.constant 0 : i32
      %dma_wait3A_99 = tpu.memref_slice %arg2[%dma_wait3A_97, %dma_wait3A_98] : memref<10000x128xf32, #tpu.memory_space<hbm>> -> memref<128x128xf32, #tpu.memory_space<hbm>>
      %dma_wait3A_100 = arith.constant 0 : i32
      %dma_wait3A_101 = arith.constant 0 : i32
      %dma_wait3A_102 = tpu.memref_slice %arg2[%dma_wait3A_100, %dma_wait3A_101] : memref<10000x128xf32, #tpu.memory_space<hbm>> -> memref<128x128xf32, #tpu.memory_space<hbm>>
      tpu.wait_dma2 semaphore(%arg11 : memref<!tpu.dma_semaphore, #tpu.memory_space<semaphore_mem>>) src(%dma_wait3A_102 : memref<128x128xf32, #tpu.memory_space<hbm>>) dst(%arg8 : memref<128x128xf32, #tpu.memory_space<vmem>>)
      %dma_start3A_103 = arith.constant 0 : i32
      %dma_start3A_104 = tpu.memref_slice %arg7[%mul3A_96, %dma_start3A_103] : memref<40x128xi32, #tpu.memory_space<vmem>> -> memref<1x128xi32, #tpu.memory_space<vmem>>
      %dma_start3A_105 = tpu.memref_squeeze %dma_start3A_104 : memref<1x128xi32, #tpu.memory_space<vmem>> -> memref<128xi32, #tpu.memory_space<vmem>>
      %dma_start3A_106 = arith.constant 0 : i32
      %dma_start3A_107 = arith.constant 0 : i32
      %dma_start3A_108 = tpu.memref_slice %arg10[%dma_start3A_106, %dma_start3A_107] : memref<10240x128xf32, #tpu.memory_space<vmem_shared>> -> memref<10240x128xf32, #tpu.memory_space<vmem_shared>>
      tpu.enqueue_indirect_dma source(%arg8 : memref<128x128xf32, #tpu.memory_space<vmem>>) target(%dma_start3A_108 : memref<10240x128xf32, #tpu.memory_space<vmem_shared>>) offsets(%dma_start3A_105 : memref<128xi32, #tpu.memory_space<vmem>>) semaphore(%arg13 : memref<!tpu.dma_semaphore, #tpu.memory_space<semaphore_mem>>) {add = true}
      %dma_wait3A_109 = arith.constant 0 : i32
      %dma_wait3A_110 = arith.constant 0 : i32
      %dma_wait3A_111 = tpu.memref_slice %arg2[%dma_wait3A_109, %dma_wait3A_110] : memref<10000x128xf32, #tpu.memory_space<hbm>> -> memref<128x128xf32, #tpu.memory_space<hbm>>
      %dma_wait3A_112 = arith.constant 0 : i32
      %dma_wait3A_113 = arith.constant 0 : i32
      %dma_wait3A_114 = tpu.memref_slice %arg2[%dma_wait3A_112, %dma_wait3A_113] : memref<10000x128xf32, #tpu.memory_space<hbm>> -> memref<128x128xf32, #tpu.memory_space<hbm>>
      tpu.wait_dma2 semaphore(%arg12 : memref<!tpu.dma_semaphore, #tpu.memory_space<semaphore_mem>>) src(%dma_wait3A_114 : memref<128x128xf32, #tpu.memory_space<hbm>>) dst(%arg9 : memref<128x128xf32, #tpu.memory_space<vmem>>)
      %add3A_115 = arith.constant 1 : i32
      %add3A_116 = arith.addi %mul3A_96, %add3A_115 : i32
      %dma_start3A_117 = arith.constant 0 : i32
      %dma_start3A_118 = tpu.memref_slice %arg7[%add3A_116, %dma_start3A_117] : memref<40x128xi32, #tpu.memory_space<vmem>> -> memref<1x128xi32, #tpu.memory_space<vmem>>
      %dma_start3A_119 = tpu.memref_squeeze %dma_start3A_118 : memref<1x128xi32, #tpu.memory_space<vmem>> -> memref<128xi32, #tpu.memory_space<vmem>>
      %dma_start3A_120 = arith.constant 0 : i32
      %dma_start3A_121 = arith.constant 0 : i32
      %dma_start3A_122 = tpu.memref_slice %arg10[%dma_start3A_120, %dma_start3A_121] : memref<10240x128xf32, #tpu.memory_space<vmem_shared>> -> memref<10240x128xf32, #tpu.memory_space<vmem_shared>>
      tpu.enqueue_indirect_dma source(%arg9 : memref<128x128xf32, #tpu.memory_space<vmem>>) target(%dma_start3A_122 : memref<10240x128xf32, #tpu.memory_space<vmem_shared>>) offsets(%dma_start3A_119 : memref<128xi32, #tpu.memory_space<vmem>>) semaphore(%arg14 : memref<!tpu.dma_semaphore, #tpu.memory_space<semaphore_mem>>) {add = true}
      %dma_wait3A_123 = arith.constant 0 : i32
      %dma_wait3A_124 = arith.constant 0 : i32
      %dma_wait3A_125 = tpu.memref_slice %arg2[%dma_wait3A_123, %dma_wait3A_124] : memref<10000x128xf32, #tpu.memory_space<hbm>> -> memref<128x128xf32, #tpu.memory_space<hbm>>
      %dma_wait3A_126 = arith.constant 0 : i32
      %dma_wait3A_127 = arith.constant 0 : i32
      %dma_wait3A_128 = tpu.memref_slice %arg2[%dma_wait3A_126, %dma_wait3A_127] : memref<10000x128xf32, #tpu.memory_space<hbm>> -> memref<128x128xf32, #tpu.memory_space<hbm>>
      tpu.wait_dma2 semaphore(%arg13 : memref<!tpu.dma_semaphore, #tpu.memory_space<semaphore_mem>>) src(%dma_wait3A_128 : memref<128x128xf32, #tpu.memory_space<hbm>>) dst(%arg8 : memref<128x128xf32, #tpu.memory_space<vmem>>)
      %add3A_129 = arith.constant 2 : i32
      %add3A_130 = arith.addi %mul3A_96, %add3A_129 : i32
      %jit3A = arith.constant 40 : i32
      %eq3A = arith.constant 0 : i32
      %eq3A_131 = arith.cmpi eq, %jit3A, %eq3A : i32
      %jit3A_132 = arith.constant 1 : i32
      %select_n3A = arith.select %eq3A_131, %jit3A_132, %jit3A : i32
      %rem3A = arith.remsi %add3A_130, %select_n3A : i32
      %ne3A = arith.constant 0 : i32
      %ne3A_133 = arith.cmpi ne, %rem3A, %ne3A : i32
      %lt3A = arith.constant 0 : i32
      %lt3A_134 = arith.cmpi slt, %rem3A, %lt3A : i32
      %lt3A_135 = arith.constant 0 : i32
      %lt3A_136 = arith.cmpi slt, %select_n3A, %lt3A_135 : i32
      %ne3A_137 = arith.xori %lt3A_134, %lt3A_136 : i1
      %and3A = arith.andi %ne3A_137, %ne3A_133 : i1
      %add3A_138 = arith.addi %rem3A, %select_n3A : i32
      %select_n3A_139 = arith.select %and3A, %add3A_138, %rem3A : i32
      %dma_start3A_140 = arith.constant 0 : i32
      %dma_start3A_141 = tpu.memref_slice %arg6[%select_n3A_139, %dma_start3A_140] : memref<40x128xi32, #tpu.memory_space<vmem>> -> memref<1x128xi32, #tpu.memory_space<vmem>>
      %dma_start3A_142 = tpu.memref_squeeze %dma_start3A_141 : memref<1x128xi32, #tpu.memory_space<vmem>> -> memref<128xi32, #tpu.memory_space<vmem>>
      %dma_start3A_143 = arith.constant 0 : i32
      %dma_start3A_144 = arith.constant 0 : i32
      %dma_start3A_145 = tpu.memref_slice %arg2[%dma_start3A_143, %dma_start3A_144] : memref<10000x128xf32, #tpu.memory_space<hbm>> -> memref<10000x128xf32, #tpu.memory_space<hbm>>
      tpu.enqueue_indirect_dma source(%dma_start3A_145 : memref<10000x128xf32, #tpu.memory_space<hbm>>) target(%arg8 : memref<128x128xf32, #tpu.memory_space<vmem>>) offsets(%dma_start3A_142 : memref<128xi32, #tpu.memory_space<vmem>>) semaphore(%arg11 : memref<!tpu.dma_semaphore, #tpu.memory_space<semaphore_mem>>)
      %dma_wait3A_146 = arith.constant 0 : i32
      %dma_wait3A_147 = arith.constant 0 : i32
      %dma_wait3A_148 = tpu.memref_slice %arg2[%dma_wait3A_146, %dma_wait3A_147] : memref<10000x128xf32, #tpu.memory_space<hbm>> -> memref<128x128xf32, #tpu.memory_space<hbm>>
      %dma_wait3A_149 = arith.constant 0 : i32
      %dma_wait3A_150 = arith.constant 0 : i32
      %dma_wait3A_151 = tpu.memref_slice %arg2[%dma_wait3A_149, %dma_wait3A_150] : memref<10000x128xf32, #tpu.memory_space<hbm>> -> memref<128x128xf32, #tpu.memory_space<hbm>>
      tpu.wait_dma2 semaphore(%arg14 : memref<!tpu.dma_semaphore, #tpu.memory_space<semaphore_mem>>) src(%dma_wait3A_151 : memref<128x128xf32, #tpu.memory_space<hbm>>) dst(%arg9 : memref<128x128xf32, #tpu.memory_space<vmem>>)
      %add3A_152 = arith.constant 3 : i32
      %add3A_153 = arith.addi %mul3A_96, %add3A_152 : i32
      %jit3A_154 = arith.constant 40 : i32
      %eq3A_155 = arith.constant 0 : i32
      %eq3A_156 = arith.cmpi eq, %jit3A_154, %eq3A_155 : i32
      %jit3A_157 = arith.constant 1 : i32
      %select_n3A_158 = arith.select %eq3A_156, %jit3A_157, %jit3A_154 : i32
      %rem3A_159 = arith.remsi %add3A_153, %select_n3A_158 : i32
      %ne3A_160 = arith.constant 0 : i32
      %ne3A_161 = arith.cmpi ne, %rem3A_159, %ne3A_160 : i32
      %lt3A_162 = arith.constant 0 : i32
      %lt3A_163 = arith.cmpi slt, %rem3A_159, %lt3A_162 : i32
      %lt3A_164 = arith.constant 0 : i32
      %lt3A_165 = arith.cmpi slt, %select_n3A_158, %lt3A_164 : i32
      %ne3A_166 = arith.xori %lt3A_163, %lt3A_165 : i1
      %and3A_167 = arith.andi %ne3A_166, %ne3A_161 : i1
      %add3A_168 = arith.addi %rem3A_159, %select_n3A_158 : i32
      %select_n3A_169 = arith.select %and3A_167, %add3A_168, %rem3A_159 : i32
      %dma_start3A_170 = arith.constant 0 : i32
      %dma_start3A_171 = tpu.memref_slice %arg6[%select_n3A_169, %dma_start3A_170] : memref<40x128xi32, #tpu.memory_space<vmem>> -> memref<1x128xi32, #tpu.memory_space<vmem>>
      %dma_start3A_172 = tpu.memref_squeeze %dma_start3A_171 : memref<1x128xi32, #tpu.memory_space<vmem>> -> memref<128xi32, #tpu.memory_space<vmem>>
      %dma_start3A_173 = arith.constant 0 : i32
      %dma_start3A_174 = arith.constant 0 : i32
      %dma_start3A_175 = tpu.memref_slice %arg2[%dma_start3A_173, %dma_start3A_174] : memref<10000x128xf32, #tpu.memory_space<hbm>> -> memref<10000x128xf32, #tpu.memory_space<hbm>>
      tpu.enqueue_indirect_dma source(%dma_start3A_175 : memref<10000x128xf32, #tpu.memory_space<hbm>>) target(%arg9 : memref<128x128xf32, #tpu.memory_space<vmem>>) offsets(%dma_start3A_172 : memref<128xi32, #tpu.memory_space<vmem>>) semaphore(%arg12 : memref<!tpu.dma_semaphore, #tpu.memory_space<semaphore_mem>>)
    }
    %scan3A_76 = arith.constant 20 : i32
    %dma_wait3A_77 = arith.constant 0 : i32
    %dma_wait3A_78 = arith.constant 0 : i32
    %dma_wait3A_79 = tpu.memref_slice %arg2[%dma_wait3A_77, %dma_wait3A_78] : memref<10000x128xf32, #tpu.memory_space<hbm>> -> memref<128x128xf32, #tpu.memory_space<hbm>>
    %dma_wait3A_80 = arith.constant 0 : i32
    %dma_wait3A_81 = arith.constant 0 : i32
    %dma_wait3A_82 = tpu.memref_slice %arg2[%dma_wait3A_80, %dma_wait3A_81] : memref<10000x128xf32, #tpu.memory_space<hbm>> -> memref<128x128xf32, #tpu.memory_space<hbm>>
    tpu.wait_dma2 semaphore(%arg11 : memref<!tpu.dma_semaphore, #tpu.memory_space<semaphore_mem>>) src(%dma_wait3A_82 : memref<128x128xf32, #tpu.memory_space<hbm>>) dst(%arg8 : memref<128x128xf32, #tpu.memory_space<vmem>>)
    %dma_wait3A_83 = arith.constant 0 : i32
    %dma_wait3A_84 = arith.constant 0 : i32
    %dma_wait3A_85 = tpu.memref_slice %arg2[%dma_wait3A_83, %dma_wait3A_84] : memref<10000x128xf32, #tpu.memory_space<hbm>> -> memref<128x128xf32, #tpu.memory_space<hbm>>
    %dma_wait3A_86 = arith.constant 0 : i32
    %dma_wait3A_87 = arith.constant 0 : i32
    %dma_wait3A_88 = tpu.memref_slice %arg2[%dma_wait3A_86, %dma_wait3A_87] : memref<10000x128xf32, #tpu.memory_space<hbm>> -> memref<128x128xf32, #tpu.memory_space<hbm>>
    tpu.wait_dma2 semaphore(%arg12 : memref<!tpu.dma_semaphore, #tpu.memory_space<semaphore_mem>>) src(%dma_wait3A_88 : memref<128x128xf32, #tpu.memory_space<hbm>>) dst(%arg9 : memref<128x128xf32, #tpu.memory_space<vmem>>)
    %barrier3A_89 = arith.constant 0 : index
    tpu.barrier barrier_id(%barrier3A_89)
    %mul3A_90 = arith.constant 640 : i32
    %mul3A_91 = arith.muli %arg1, %mul3A_90 : i32
    %mul3A_92 = arith.constant 640 : i32
    %mul3A_93 = arith.muli %arg1, %mul3A_92 : i32
    "tpu.region"() ({
      %run_scoped3A_94 = tpu.sem_alloc : memref<!tpu.dma_semaphore, #tpu.memory_space<semaphore_mem>>
      %dma_start3A_95 = arith.constant 0 : i32
      %dma_start3A_96 = tpu.memref_slice %arg5[%arg0, %mul3A_93, %dma_start3A_95] : memref<2x10240x128xf32, #tpu.memory_space<hbm>> -> memref<1x640x128xf32, #tpu.memory_space<hbm>>
      %dma_start3A_97 = tpu.memref_squeeze %dma_start3A_96 : memref<1x640x128xf32, #tpu.memory_space<hbm>> -> memref<640x128xf32, #tpu.memory_space<hbm>>
      %dma_start3A_98 = arith.constant 0 : i32
      %dma_start3A_99 = tpu.memref_slice %arg10[%mul3A_91, %dma_start3A_98] : memref<10240x128xf32, #tpu.memory_space<vmem_shared>> -> memref<640x128xf32, #tpu.memory_space<vmem_shared>>
      tpu.enqueue_dma source(%dma_start3A_99 : memref<640x128xf32, #tpu.memory_space<vmem_shared>>) target(%dma_start3A_97 : memref<640x128xf32, #tpu.memory_space<hbm>>) target_semaphore(%run_scoped3A_94 : memref<!tpu.dma_semaphore, #tpu.memory_space<semaphore_mem>>)
      %dma_wait3A_100 = arith.constant 0 : i32
      %dma_wait3A_101 = tpu.memref_slice %arg5[%arg0, %mul3A_93, %dma_wait3A_100] : memref<2x10240x128xf32, #tpu.memory_space<hbm>> -> memref<1x640x128xf32, #tpu.memory_space<hbm>>
      %dma_wait3A_102 = tpu.memref_squeeze %dma_wait3A_101 : memref<1x640x128xf32, #tpu.memory_space<hbm>> -> memref<640x128xf32, #tpu.memory_space<hbm>>
      %dma_wait3A_103 = arith.constant 0 : i32
      %dma_wait3A_104 = tpu.memref_slice %arg10[%mul3A_91, %dma_wait3A_103] : memref<10240x128xf32, #tpu.memory_space<vmem_shared>> -> memref<640x128xf32, #tpu.memory_space<vmem_shared>>
      tpu.wait_dma2 semaphore(%run_scoped3A_94 : memref<!tpu.dma_semaphore, #tpu.memory_space<semaphore_mem>>) src(%dma_wait3A_104 : memref<640x128xf32, #tpu.memory_space<vmem_shared>>) dst(%dma_wait3A_102 : memref<640x128xf32, #tpu.memory_space<hbm>>)
      tpu.yield
    }) : () -> ()
    return
  }
}

module attributes {stable_mosaic.version = 14 : i64} {
  func.func @_tc_layer_body(%arg0: memref<10000x128xf32, #tpu.memory_space<vmem>>, %arg1: memref<10240x128xf32, #tpu.memory_space<vmem>>, %arg2: memref<10240x128xf32, #tpu.memory_space<vmem>>, %arg3: memref<128x128xf32, #tpu.memory_space<vmem>>, %arg4: memref<1x128xf32, #tpu.memory_space<vmem>>, %arg5: memref<128x128xf32, #tpu.memory_space<vmem>>, %arg6: memref<1x128xf32, #tpu.memory_space<vmem>>, %arg7: memref<1x128xf32, #tpu.memory_space<vmem>>, %arg8: memref<1x128xf32, #tpu.memory_space<vmem>>, %arg9: memref<10000x128xf32, #tpu.memory_space<vmem>>) attributes {dimension_semantics = [], scalar_prefetch = 0 : i64, scratch_operands = 0 : i64, tpu.core_type = #tpu.core_type<tc>} {
    %get3A = arith.constant 0 : index
    %get3A_0 = arith.constant 0 : index
    %get3A_1 = vector.load %arg0[%get3A, %get3A_0] : memref<10000x128xf32, #tpu.memory_space<vmem>>, vector<10000x128xf32>
    %get3A_2 = arith.constant 0 : index
    %get3A_3 = arith.constant 0 : index
    %get3A_4 = vector.load %arg1[%get3A_2, %get3A_3] : memref<10240x128xf32, #tpu.memory_space<vmem>>, vector<10000x128xf32>
    %add3A = arith.addf %get3A_1, %get3A_4 : vector<10000x128xf32>
    %get3A_5 = arith.constant 0 : index
    %get3A_6 = arith.constant 0 : index
    %get3A_7 = vector.load %arg2[%get3A_5, %get3A_6] : memref<10240x128xf32, #tpu.memory_space<vmem>>, vector<10000x128xf32>
    %add3A_8 = arith.addf %add3A, %get3A_7 : vector<10000x128xf32>
    %get3A_9 = arith.constant 0 : index
    %get3A_10 = arith.constant 0 : index
    %get3A_11 = vector.load %arg3[%get3A_9, %get3A_10] : memref<128x128xf32, #tpu.memory_space<vmem>>, vector<128x128xf32>
    %dot_general3A = arith.constant dense<0.000000e+00> : vector<10000x128xf32>
    %dot_general3A_12 = tpu.matmul %add3A_8, %get3A_11, %dot_general3A {dimension_numbers = #tpu.dot_dimension_numbers<[1], [0], [0], [1], [0, 0, 1, 1], [], []>, transpose_lhs_hint = false} : vector<10000x128xf32>, vector<128x128xf32>, vector<10000x128xf32> -> vector<10000x128xf32>
    %get3A_13 = arith.constant 0 : index
    %get3A_14 = arith.constant 0 : index
    %get3A_15 = vector.load %arg4[%get3A_13, %get3A_14] : memref<1x128xf32, #tpu.memory_space<vmem>>, vector<1x128xf32>
    %add3A_16 = vector.broadcast %get3A_15 : vector<1x128xf32> to vector<10000x128xf32>
    %add3A_17 = arith.addf %dot_general3A_12, %add3A_16 : vector<10000x128xf32>
    %max3A = arith.constant 0.000000e+00 : f32
    %max3A_18 = vector.broadcast %max3A : f32 to vector<10000x128xf32>
    %max3A_19 = arith.maximumf %add3A_17, %max3A_18 : vector<10000x128xf32>
    %get3A_20 = arith.constant 0 : index
    %get3A_21 = arith.constant 0 : index
    %get3A_22 = vector.load %arg5[%get3A_20, %get3A_21] : memref<128x128xf32, #tpu.memory_space<vmem>>, vector<128x128xf32>
    %dot_general3A_23 = arith.constant dense<0.000000e+00> : vector<10000x128xf32>
    %dot_general3A_24 = tpu.matmul %max3A_19, %get3A_22, %dot_general3A_23 {dimension_numbers = #tpu.dot_dimension_numbers<[1], [0], [0], [1], [0, 0, 1, 1], [], []>, transpose_lhs_hint = false} : vector<10000x128xf32>, vector<128x128xf32>, vector<10000x128xf32> -> vector<10000x128xf32>
    %get3A_25 = arith.constant 0 : index
    %get3A_26 = arith.constant 0 : index
    %get3A_27 = vector.load %arg6[%get3A_25, %get3A_26] : memref<1x128xf32, #tpu.memory_space<vmem>>, vector<1x128xf32>
    %add3A_28 = vector.broadcast %get3A_27 : vector<1x128xf32> to vector<10000x128xf32>
    %add3A_29 = arith.addf %dot_general3A_24, %add3A_28 : vector<10000x128xf32>
    %max3A_30 = arith.constant 0.000000e+00 : f32
    %max3A_31 = vector.broadcast %max3A_30 : f32 to vector<10000x128xf32>
    %max3A_32 = arith.maximumf %add3A_29, %max3A_31 : vector<10000x128xf32>
    %reduce_sum3A = arith.constant dense<0.000000e+00> : vector<128xf32>
    %reduce_sum3A_33 = vector.multi_reduction <add>, %max3A_32, %reduce_sum3A [0] : vector<10000x128xf32> to vector<128xf32>
    %broadcast_in_dim3A = vector.shape_cast %reduce_sum3A_33 : vector<128xf32> to vector<1x128xf32>
    %div3A = arith.constant 1.000000e+04 : f32
    %div3A_34 = vector.broadcast %div3A : f32 to vector<1x128xf32>
    %div3A_35 = arith.divf %broadcast_in_dim3A, %div3A_34 : vector<1x128xf32>
    %sub3A = vector.broadcast %div3A_35 : vector<1x128xf32> to vector<10000x128xf32>
    %sub3A_36 = arith.subf %max3A_32, %sub3A : vector<10000x128xf32>
    %integer_pow3A = arith.mulf %sub3A_36, %sub3A_36 : vector<10000x128xf32>
    %reduce_sum3A_37 = arith.constant dense<0.000000e+00> : vector<128xf32>
    %reduce_sum3A_38 = vector.multi_reduction <add>, %integer_pow3A, %reduce_sum3A_37 [0] : vector<10000x128xf32> to vector<128xf32>
    %broadcast_in_dim3A_39 = vector.shape_cast %reduce_sum3A_38 : vector<128xf32> to vector<1x128xf32>
    %div3A_40 = arith.constant 1.000000e+04 : f32
    %div3A_41 = vector.broadcast %div3A_40 : f32 to vector<1x128xf32>
    %div3A_42 = arith.divf %broadcast_in_dim3A_39, %div3A_41 : vector<1x128xf32>
    %sub3A_43 = vector.broadcast %div3A_35 : vector<1x128xf32> to vector<10000x128xf32>
    %sub3A_44 = arith.subf %max3A_32, %sub3A_43 : vector<10000x128xf32>
    %add3A_45 = arith.constant 9.99999974E-6 : f32
    %add3A_46 = vector.broadcast %add3A_45 : f32 to vector<1x128xf32>
    %add3A_47 = arith.addf %div3A_42, %add3A_46 : vector<1x128xf32>
    %rsqrt3A = math.rsqrt %add3A_47 : vector<1x128xf32>
    %mul3A = vector.broadcast %rsqrt3A : vector<1x128xf32> to vector<10000x128xf32>
    %mul3A_48 = arith.mulf %sub3A_44, %mul3A : vector<10000x128xf32>
    %get3A_49 = arith.constant 0 : index
    %get3A_50 = arith.constant 0 : index
    %get3A_51 = vector.load %arg7[%get3A_49, %get3A_50] : memref<1x128xf32, #tpu.memory_space<vmem>>, vector<1x128xf32>
    %mul3A_52 = vector.broadcast %get3A_51 : vector<1x128xf32> to vector<10000x128xf32>
    %mul3A_53 = arith.mulf %mul3A_48, %mul3A_52 : vector<10000x128xf32>
    %get3A_54 = arith.constant 0 : index
    %get3A_55 = arith.constant 0 : index
    %get3A_56 = vector.load %arg8[%get3A_54, %get3A_55] : memref<1x128xf32, #tpu.memory_space<vmem>>, vector<1x128xf32>
    %add3A_57 = vector.broadcast %get3A_56 : vector<1x128xf32> to vector<10000x128xf32>
    %add3A_58 = arith.addf %mul3A_53, %add3A_57 : vector<10000x128xf32>
    %swap3A = arith.constant 0 : index
    %swap3A_59 = arith.constant 0 : index
    %swap3A_60 = vector.load %arg9[%swap3A, %swap3A_59] : memref<10000x128xf32, #tpu.memory_space<vmem>>, vector<10000x128xf32>
    tpu.vector_store %arg9[%swap3A, %swap3A_59], %add3A_58 {strides = array<i32>} : memref<10000x128xf32, #tpu.memory_space<vmem>>, vector<10000x128xf32>,
    return
  }
}

module attributes {stable_mosaic.version = 14 : i64} {
  func.func @_tc_final_body(%arg0: memref<10000x128xf32, #tpu.memory_space<vmem>>, %arg1: memref<10240x128xf32, #tpu.memory_space<vmem>>, %arg2: memref<10240x128xf32, #tpu.memory_space<vmem>>, %arg3: memref<128x128xf32, #tpu.memory_space<vmem>>, %arg4: memref<1x128xf32, #tpu.memory_space<vmem>>, %arg5: memref<128x128xf32, #tpu.memory_space<vmem>>, %arg6: memref<1x128xf32, #tpu.memory_space<vmem>>, %arg7: memref<1x128xf32, #tpu.memory_space<vmem>>, %arg8: memref<1x128xf32, #tpu.memory_space<vmem>>, %arg9: memref<1x10000xi32, #tpu.memory_space<vmem>>, %arg10: memref<10000x128xf32, #tpu.memory_space<vmem>>, %arg11: memref<128x128xf32, #tpu.memory_space<vmem>>, %arg12: memref<128x128xf32, #tpu.memory_space<vmem>>) attributes {dimension_semantics = [], scalar_prefetch = 0 : i64, scratch_operands = 0 : i64, tpu.core_type = #tpu.core_type<tc>} {
    %get3A = arith.constant 0 : index
    %get3A_0 = arith.constant 0 : index
    %get3A_1 = vector.load %arg0[%get3A, %get3A_0] : memref<10000x128xf32, #tpu.memory_space<vmem>>, vector<10000x128xf32>
    %get3A_2 = arith.constant 0 : index
    %get3A_3 = arith.constant 0 : index
    %get3A_4 = vector.load %arg1[%get3A_2, %get3A_3] : memref<10240x128xf32, #tpu.memory_space<vmem>>, vector<10000x128xf32>
    %add3A = arith.addf %get3A_1, %get3A_4 : vector<10000x128xf32>
    %get3A_5 = arith.constant 0 : index
    %get3A_6 = arith.constant 0 : index
    %get3A_7 = vector.load %arg2[%get3A_5, %get3A_6] : memref<10240x128xf32, #tpu.memory_space<vmem>>, vector<10000x128xf32>
    %add3A_8 = arith.addf %add3A, %get3A_7 : vector<10000x128xf32>
    %get3A_9 = arith.constant 0 : index
    %get3A_10 = arith.constant 0 : index
    %get3A_11 = vector.load %arg3[%get3A_9, %get3A_10] : memref<128x128xf32, #tpu.memory_space<vmem>>, vector<128x128xf32>
    %dot_general3A = arith.constant dense<0.000000e+00> : vector<10000x128xf32>
    %dot_general3A_12 = tpu.matmul %add3A_8, %get3A_11, %dot_general3A {dimension_numbers = #tpu.dot_dimension_numbers<[1], [0], [0], [1], [0, 0, 1, 1], [], []>, transpose_lhs_hint = false} : vector<10000x128xf32>, vector<128x128xf32>, vector<10000x128xf32> -> vector<10000x128xf32>
    %get3A_13 = arith.constant 0 : index
    %get3A_14 = arith.constant 0 : index
    %get3A_15 = vector.load %arg4[%get3A_13, %get3A_14] : memref<1x128xf32, #tpu.memory_space<vmem>>, vector<1x128xf32>
    %add3A_16 = vector.broadcast %get3A_15 : vector<1x128xf32> to vector<10000x128xf32>
    %add3A_17 = arith.addf %dot_general3A_12, %add3A_16 : vector<10000x128xf32>
    %max3A = arith.constant 0.000000e+00 : f32
    %max3A_18 = vector.broadcast %max3A : f32 to vector<10000x128xf32>
    %max3A_19 = arith.maximumf %add3A_17, %max3A_18 : vector<10000x128xf32>
    %get3A_20 = arith.constant 0 : index
    %get3A_21 = arith.constant 0 : index
    %get3A_22 = vector.load %arg5[%get3A_20, %get3A_21] : memref<128x128xf32, #tpu.memory_space<vmem>>, vector<128x128xf32>
    %dot_general3A_23 = arith.constant dense<0.000000e+00> : vector<10000x128xf32>
    %dot_general3A_24 = tpu.matmul %max3A_19, %get3A_22, %dot_general3A_23 {dimension_numbers = #tpu.dot_dimension_numbers<[1], [0], [0], [1], [0, 0, 1, 1], [], []>, transpose_lhs_hint = false} : vector<10000x128xf32>, vector<128x128xf32>, vector<10000x128xf32> -> vector<10000x128xf32>
    %get3A_25 = arith.constant 0 : index
    %get3A_26 = arith.constant 0 : index
    %get3A_27 = vector.load %arg6[%get3A_25, %get3A_26] : memref<1x128xf32, #tpu.memory_space<vmem>>, vector<1x128xf32>
    %add3A_28 = vector.broadcast %get3A_27 : vector<1x128xf32> to vector<10000x128xf32>
    %add3A_29 = arith.addf %dot_general3A_24, %add3A_28 : vector<10000x128xf32>
    %max3A_30 = arith.constant 0.000000e+00 : f32
    %max3A_31 = vector.broadcast %max3A_30 : f32 to vector<10000x128xf32>
    %max3A_32 = arith.maximumf %add3A_29, %max3A_31 : vector<10000x128xf32>
    %reduce_sum3A = arith.constant dense<0.000000e+00> : vector<128xf32>
    %reduce_sum3A_33 = vector.multi_reduction <add>, %max3A_32, %reduce_sum3A [0] : vector<10000x128xf32> to vector<128xf32>
    %broadcast_in_dim3A = vector.shape_cast %reduce_sum3A_33 : vector<128xf32> to vector<1x128xf32>
    %div3A = arith.constant 1.000000e+04 : f32
    %div3A_34 = vector.broadcast %div3A : f32 to vector<1x128xf32>
    %div3A_35 = arith.divf %broadcast_in_dim3A, %div3A_34 : vector<1x128xf32>
    %sub3A = vector.broadcast %div3A_35 : vector<1x128xf32> to vector<10000x128xf32>
    %sub3A_36 = arith.subf %max3A_32, %sub3A : vector<10000x128xf32>
    %integer_pow3A = arith.mulf %sub3A_36, %sub3A_36 : vector<10000x128xf32>
    %reduce_sum3A_37 = arith.constant dense<0.000000e+00> : vector<128xf32>
    %reduce_sum3A_38 = vector.multi_reduction <add>, %integer_pow3A, %reduce_sum3A_37 [0] : vector<10000x128xf32> to vector<128xf32>
    %broadcast_in_dim3A_39 = vector.shape_cast %reduce_sum3A_38 : vector<128xf32> to vector<1x128xf32>
    %div3A_40 = arith.constant 1.000000e+04 : f32
    %div3A_41 = vector.broadcast %div3A_40 : f32 to vector<1x128xf32>
    %div3A_42 = arith.divf %broadcast_in_dim3A_39, %div3A_41 : vector<1x128xf32>
    %sub3A_43 = vector.broadcast %div3A_35 : vector<1x128xf32> to vector<10000x128xf32>
    %sub3A_44 = arith.subf %max3A_32, %sub3A_43 : vector<10000x128xf32>
    %add3A_45 = arith.constant 9.99999974E-6 : f32
    %add3A_46 = vector.broadcast %add3A_45 : f32 to vector<1x128xf32>
    %add3A_47 = arith.addf %div3A_42, %add3A_46 : vector<1x128xf32>
    %rsqrt3A = math.rsqrt %add3A_47 : vector<1x128xf32>
    %mul3A = vector.broadcast %rsqrt3A : vector<1x128xf32> to vector<10000x128xf32>
    %mul3A_48 = arith.mulf %sub3A_44, %mul3A : vector<10000x128xf32>
    %get3A_49 = arith.constant 0 : index
    %get3A_50 = arith.constant 0 : index
    %get3A_51 = vector.load %arg7[%get3A_49, %get3A_50] : memref<1x128xf32, #tpu.memory_space<vmem>>, vector<1x128xf32>
    %mul3A_52 = vector.broadcast %get3A_51 : vector<1x128xf32> to vector<10000x128xf32>
    %mul3A_53 = arith.mulf %mul3A_48, %mul3A_52 : vector<10000x128xf32>
    %get3A_54 = arith.constant 0 : index
    %get3A_55 = arith.constant 0 : index
    %get3A_56 = vector.load %arg8[%get3A_54, %get3A_55] : memref<1x128xf32, #tpu.memory_space<vmem>>, vector<1x128xf32>
    %add3A_57 = vector.broadcast %get3A_56 : vector<1x128xf32> to vector<10000x128xf32>
    %add3A_58 = arith.addf %mul3A_53, %add3A_57 : vector<10000x128xf32>
    %swap3A = arith.constant 0 : index
    %swap3A_59 = arith.constant 0 : index
    %swap3A_60 = vector.load %arg10[%swap3A, %swap3A_59] : memref<10000x128xf32, #tpu.memory_space<vmem>>, vector<10000x128xf32>
    tpu.vector_store %arg10[%swap3A, %swap3A_59], %add3A_58 {strides = array<i32>} : memref<10000x128xf32, #tpu.memory_space<vmem>>, vector<10000x128xf32>,
    %iota3A = tpu.iota {dimensions = array<i32: 0>} : vector<128x1xi32>
    %get3A_61 = arith.constant 0 : index
    %get3A_62 = arith.constant 0 : index
    %get3A_63 = vector.load %arg9[%get3A_61, %get3A_62] : memref<1x10000xi32, #tpu.memory_space<vmem>>, vector<1x10000xi32>
    %eq3A = vector.broadcast %get3A_63 : vector<1x10000xi32> to vector<128x10000xi32>
    %eq3A_64 = vector.broadcast %iota3A : vector<128x1xi32> to vector<128x10000xi32>
    %eq3A_65 = arith.cmpi eq, %eq3A, %eq3A_64 : vector<128x10000xi32>
    %convert_element_type3A = arith.extui %eq3A_65 : vector<128x10000xi1> to vector<128x10000xi32>
    %convert_element_type3A_66 = arith.sitofp %convert_element_type3A : vector<128x10000xi32> to vector<128x10000xf32>
    %get3A_67 = arith.constant 0 : index
    %get3A_68 = arith.constant 0 : index
    %get3A_69 = vector.load %arg0[%get3A_67, %get3A_68] : memref<10000x128xf32, #tpu.memory_space<vmem>>, vector<10000x128xf32>
    %dot_general3A_70 = arith.constant dense<0.000000e+00> : vector<128x128xf32>
    %dot_general3A_71 = tpu.matmul %convert_element_type3A_66, %get3A_69, %dot_general3A_70 {dimension_numbers = #tpu.dot_dimension_numbers<[1], [0], [0], [1], [0, 0, 1, 1], [], []>, transpose_lhs_hint = false} : vector<128x10000xf32>, vector<10000x128xf32>, vector<128x128xf32> -> vector<128x128xf32>
    %swap3A_72 = arith.constant 0 : index
    %swap3A_73 = arith.constant 0 : index
    %swap3A_74 = vector.load %arg11[%swap3A_72, %swap3A_73] : memref<128x128xf32, #tpu.memory_space<vmem>>, vector<128x128xf32>
    tpu.vector_store %arg11[%swap3A_72, %swap3A_73], %dot_general3A_71 {strides = array<i32>} : memref<128x128xf32, #tpu.memory_space<vmem>>, vector<128x128xf32>,
    %dot_general3A_75 = arith.constant dense<0.000000e+00> : vector<128x128xf32>
    %dot_general3A_76 = tpu.matmul %convert_element_type3A_66, %add3A_58, %dot_general3A_75 {dimension_numbers = #tpu.dot_dimension_numbers<[1], [0], [0], [1], [0, 0, 1, 1], [], []>, transpose_lhs_hint = false} : vector<128x10000xf32>, vector<10000x128xf32>, vector<128x128xf32> -> vector<128x128xf32>
    %swap3A_77 = arith.constant 0 : index
    %swap3A_78 = arith.constant 0 : index
    %swap3A_79 = vector.load %arg12[%swap3A_77, %swap3A_78] : memref<128x128xf32, #tpu.memory_space<vmem>>, vector<128x128xf32>
    tpu.vector_store %arg12[%swap3A_77, %swap3A_78], %dot_general3A_76 {strides = array<i32>} : memref<128x128xf32, #tpu.memory_space<vmem>>, vector<128x128xf32>,
    return
  }
}

</mosaic_0001>

<sc_bundles>
// kernel: kernel.6.cloned.1.call-start
scs
__scs_entry_jumppad:
0x0: {  	(pc) =	sbr.rel $0x88, $3  }
0x1: {  	(tag) =	ssettag $0x0;
	lr =	simm.s32 $0x1  }
0x2: {  	[smem:$0x3F92] =	sst lr;
	_ =	strace $0xD0000000  }
0x3: {  	_ = 	snop  }
0x4: {  	_ = 	snop  }
0x5: {  	_ = 	snop  }
0x6: {  	_ = 	snop  }
0x7: {  	_ = 	snop  }
__scs_overlays_trampoline_lowered:
0x8: {  	[smem:$0x3FA1] =	sst s0  }
0x9: {  	[smem:$0x3FA2] =	sst s1  }
0xa: {  	[smem:$0x3FA3] =	sst s2  }
0xb: {  	[smem:$0x3FA4] =	sst s3  }
0xc: {  	[smem:$0x3FA5] =	sst s4  }
0xd: {  	[smem:$0x3FA6] =	sst s5  }
0xe: {  	[smem:$0x3FA7] =	sst s6  }
0xf: {  	[smem:$0x3FA8] =	sst s7  }
0x10: {  	[smem:$0x3FA9] =	sst s8  }
0x11: {  	[smem:$0x3FAA] =	sst s9;
	s0 =	simm.s32 @!p0 $0x0  }
0x12: {  	s1 =	sld [smem:$0x3F90];
	s0 =	simm.s32 @p0 $0x1  }
0x13: {  	[smem:$0x3FAB] =	sst s0;
	s0 =	simm.s32 @!p1 $0x0  }
0x14: {  	s2 =	sld [smem:$0x3F8F];
	s0 =	simm.s32 @p1 $0x1  }
0x15: {  	[smem:$0x3FAC] =	sst s0;
	s0 =	simm.s32 @!p2 $0x0  }
0x16: {  	s3 =	sld [smem:$0x3FDB];
	s0 =	simm.s32 @p2 $0x1  }
0x17: {  	s4 =	simm.s32 $0x1BF5;
	[smem:$0x3FAE] =	sst s0  }
0x18: {  	s0 =	sld [smem:$0x3F91];
	_ =	swait.ge [sflag:s4], $0x0  }
0x19: {  	s7 =	sld [smem:$0x3F92]  }
0x1a: {  	s8 =	sadd.s32 $0xFFFFE003, lr  }
0x1b: {  	s9 =	sadd.s32 $0xFFFFFEF7, lr;
	s5 =	simm.s32 $0xFFFFFFFF;
	p2 =	slt.u32 s8, $0xFFFFF086  }
0x1c: {  	p1 =	slt.u32 s9, $0xF7A;
	s5 =	simm.s32 @!p2 $0x0  }
0x1d: {  	s5 =	simm.s32 @p1 $0x1;
	p0 =	seq.s32 s7, s2  }
0x1e: {  	s7 =	smul.u32 @!p0 $0xF7A, s2;
	p2 =	seq.s32 @!p0 s5, $0x0  }
0x1f: {  	s9 =	smul.u32 $0xF7A, s1;
	s8 =	simm.s32 @!p0 $0x1BF5;
	p2 =	por !p2, p0  }
0x20: {  	[sflag:s8] =	ssyncset.s32 @!p0 $0xFFFFF086;
	s6 =	sadd.s32 @!p0 s3, s7;
	s7 =	simm.s32 @!p0 $0x108  }
0x21: {  	s3 =	sadd.s32 s3, s9;
	s6 =	sadd.s32 @!p0 $0x88, s6;
	s7 =	simm.s32 @p2 $0x1082  }
0x22: {  	[simem:s7], [sflag:s8] =	dma.local @!p0 [hbm:s6], $0xF7A  }
0x23: {  	s9 =	sor.u32 $0xD0000000, s2;
	s6 =	simm.s32 $0x108;
	_ =	swait.ge @!p0 [sflag:s8], $0x0  }
0x24: {  	s3 =	sadd.s32 $0x88, s3;
	s6 =	simm.s32 @!p1 $0x1082;
	[sflag:s4] =	ssyncset.s32 $0xFFFFF086  }
0x25: {  	[simem:s6], [sflag:s4] =	dma.local [hbm:s3], $0xF7A  }
0x26: {  	[smem:$0x3F92] =	sst s1;
	(tag) =	ssettag s2;
	_ =	strace s9  }
0x27: {  	s1 =	sld [smem:$0x3FA2]  }
0x28: {  	s2 =	sld [smem:$0x3FA3]  }
0x29: {  	s4 =	sld [smem:$0x3FA5]  }
0x2a: {  	p0 =	seq.s32 s5, $0x0;
	s5 =	sld [smem:$0x3FA6]  }
0x2b: {  	s6 =	sld [smem:$0x3FA7]  }
0x2c: {  	s7 =	sld [smem:$0x3FA8]  }
0x2d: {  	s3 =	simm.s32 $0x108;
	s8 =	sld [smem:$0x3FA9]  }
0x2e: {  	s3 =	simm.s32 @!p0 $0x1082;
	s9 =	sld [smem:$0x3FAA]  }
0x2f: {  	lr =	sadd.s32 s0, s3;
	s0 =	sld [smem:$0x3FA1]  }
0x30: {  	s3 =	sld [smem:$0x3FA4]  }
0x31: {  	[smem:$0x3FAD] =	sst s10  }
0x32: {  	s10 =	sld [smem:$0x3FAB];
	_ =	sdelay $0x3  }
0x33: {  	p0 =	seq.s32 s10, $0x1;
	s10 =	sld [smem:$0x3FAD];
	_ =	sdelay $0x3  }
0x34: {  	[smem:$0x3FAD] =	sst s10  }
0x35: {  	s10 =	sld [smem:$0x3FAC];
	_ =	sdelay $0x3  }
0x36: {  	p1 =	seq.s32 s10, $0x1;
	s10 =	sld [smem:$0x3FAD];
	_ =	sdelay $0x3  }
0x37: {  	[smem:$0x3FAD] =	sst s10  }
0x38: {  	s10 =	sld [smem:$0x3FAE]  }
0x39: {  	_ = 	snop;
	(pc) =	sbr.ind lr, $3  }
0x3a: {  	_ = 	snop  }
0x3b: {  	_ = 	snop  }
0x3c: {  	p2 =	seq.s32 s10, $0x1;
	s10 =	sld [smem:$0x3FAD]  }
0x3d: {  	_ =	shalt  }
0x3e: {  	_ =	shalt  }
0x3f: {  	_ =	shalt  }
0x40: {  	_ =	shalt  }
0x41: {  	_ =	shalt  }
0x42: {  	_ =	shalt  }
0x43: {  	_ =	shalt  }
0x44: {  	_ =	shalt  }
0x45: {  	_ =	shalt  }
0x46: {  	_ =	shalt  }
0x47: {  	_ =	shalt  }
0x48: {  	_ =	shalt  }
0x49: {  	_ =	shalt  }
0x4a: {  	_ =	shalt  }
0x4b: {  	_ =	shalt  }
0x4c: {  	_ =	shalt  }
0x4d: {  	_ =	shalt  }
0x4e: {  	_ =	shalt  }
0x4f: {  	_ =	shalt  }
0x50: {  	_ =	shalt  }
0x51: {  	_ =	shalt  }
0x52: {  	_ =	shalt  }
0x53: {  	_ =	shalt  }
0x54: {  	_ =	shalt  }
0x55: {  	_ =	shalt  }
0x56: {  	_ =	shalt  }
0x57: {  	_ =	shalt  }
0x58: {  	_ =	shalt  }
0x59: {  	_ =	shalt  }
0x5a: {  	_ =	shalt  }
0x5b: {  	_ =	shalt  }
0x5c: {  	_ =	shalt  }
0x5d: {  	_ =	shalt  }
0x5e: {  	_ =	shalt  }
0x5f: {  	_ =	shalt  }
0x60: {  	_ =	shalt  }
0x61: {  	_ =	shalt  }
0x62: {  	_ =	shalt  }
0x63: {  	_ =	shalt  }
0x64: {  	_ =	shalt  }
0x65: {  	_ =	shalt  }
0x66: {  	_ =	shalt  }
0x67: {  	_ =	shalt  }
0x68: {  	_ =	shalt  }
0x69: {  	_ =	shalt  }
0x6a: {  	_ =	shalt  }
0x6b: {  	_ =	shalt  }
0x6c: {  	_ =	shalt  }
0x6d: {  	_ =	shalt  }
0x6e: {  	_ =	shalt  }
0x6f: {  	_ =	shalt  }
0x70: {  	_ =	shalt  }
0x71: {  	_ =	shalt  }
0x72: {  	_ =	shalt  }
0x73: {  	_ =	shalt  }
0x74: {  	_ =	shalt  }
0x75: {  	_ =	shalt  }
0x76: {  	_ =	shalt  }
0x77: {  	_ =	shalt  }
0x78: {  	_ =	shalt  }
0x79: {  	_ =	shalt  }
0x7a: {  	_ =	shalt  }
0x7b: {  	_ =	shalt  }
0x7c: {  	_ =	shalt  }
0x7d: {  	_ =	shalt  }
0x7e: {  	_ =	shalt  }
0x7f: {  	_ =	shalt  }
0x80: {  	_ =	shalt  }
0x81: {  	_ =	shalt  }
0x82: {  	_ =	shalt  }
0x83: {  	_ =	shalt  }
0x84: {  	_ =	shalt  }
0x85: {  	_ =	shalt  }
0x86: {  	_ =	shalt  }
0x87: {  	_ =	shalt  }
.Lfunc_end0:
.L_simem_size_0:
called_computation_lowered:
.L_overlay_start_0:
0x88: {  	s2 =	sld [smem:$0x3FD9]  }
0x89: {  	s3 =	sld [smem:$0x3FFE];
	_ =	sdelay $0x1  }
0x8a: {  	s1 =	srdreg.scid  }
0x8b: {  	s0 =	sand.u32 $0x1, s1  }
0x8c: {  	s17 =	sshll.u32 s0, $0xA;
	s2 =	sadd.s32 s3, s2  }
0x8d: {  	s2 =	sadd.s32 s2, s17  }
0x8e: {  	[smem:$0x3FB9] =	sst s2  }
0x8f: {  	_ = 	snop  }
0x90: {  	s2 =	sld [smem:$0x3FC9];
	(tm) =	ssettm $0x1  }
0x91: {  	s18 =	sld [smem:$0x3FFB];
	_ =	sdelay $0x3  }
0x92: {  	_ =	strace s18  }
0x93: {  	s3 =	sld [smem:$0x3FFC];
	_ =	sdelay $0x3  }
0x94: {  	_ =	strace s3  }
0x95: {  	s3 =	sld [smem:$0x3FFD];
	_ =	sdelay $0x3  }
0x96: {  	_ =	strace s3  }
0x97: {  	_ =	strace $0x8FFFFFFF  }
0x98: {  	s19 =	sld [smem:$0x3FDB];
	_ =	sdelay $0x1  }
0x99: {  	s4 =	simm.s32 $_scs_section_size  }
0x9a: {  	s5 =	simm.s32 $_size__tile_overlayer_lowered;
	s6 =	simm.s32 $_tile_overlayer_lowered  }
0x9b: {  	s22 =	simm.s32 $0x1BFF;
	s21 =	sshll.u32 s6, $0x1;
	s3 =	sadd.s32 s4, s19  }
0x9c: {  	s7 =	simm.s32 $0x0;
	s20 =	sshll.u32 s5, $0x1;
	s5 =	sadd.s32 s21, s3  }
0x9d: {  	[timem:s7], [sflag:s22] =	dma.local [hbm:s5], s20  }
0x9e: {  	_ =	swait.ge [sflag:s22], s20  }
0x9f: {  	s4 =	ssub.s32 $0x0, s20;
	[sflag:s22] =	ssyncset.done $0x0  }
0xa0: {  	[sflag:s22] =	ssyncadd.s32 s4;
	_ =	sdelay $0x1  }
0xa1: {  	s23 =	simm.s32 $0x1B8B  }
0xa2: {  	_ =	swait.ge [sflag:s23], $0x1  }
0xa3: {  	[sflag:s23] =	ssyncset.done $0x0  }
0xa4: {  	s25 =	simm.s32 $0x1B8E;
	s24 =	sld [smem:$0x3FFE];
	[sflag:s23] =	ssyncadd.s32 $0xFFFFFFFF  }
0xa5: {  	s26 =	simm.s32 $execute0_lowered;
	[smem:$0x3FD2] =	sst s25  }
0xa6: {  	s5 =	sshll.u32 s26, $0x1;
	_ =	strace $0x80000046;
	[dreg:$0x1] =	wrdreg $0xFFFFFFFF  }
0xa7: {  	s28 =	simm.s32 $_size_execute0_lowered;
	s3 =	sadd.s32 s3, s5;
	[dreg:$0x0] =	wrdreg $0x0  }
0xa8: {  	s5 =	sshll.u32 s28, $0x1;
	[dreg:$0x2] =	wrdreg s3  }
0xa9: {  	[dreg:$0x3] =	wrdreg s5  }
0xaa: {  	[dreg:$0x4] =	wrdreg $0xC0  }
0xab: {  	_ =	task [dreg:s7], $0x5FFFF  }
0xac: {  	[dreg:$0x1] =	wrdreg $0xFFFFFFFF  }
0xad: {  	[dreg:$0x0] =	wrdreg $0x60  }
0xae: {  	[dreg:$0x2] =	wrdreg s2  }
0xaf: {  	[dreg:$0x3] =	wrdreg s24  }
0xb0: {  	[dreg:$0x4] =	wrdreg $0xA8000  }
0xb1: {  	[dreg:$0x5] =	wrdreg $0x9  }
0xb2: {  	_ =	task.clear_ibuf [dreg:s7], $0x6FFFF;
	_ =	strace $0x90000046  }
0xb3: {  	s29 =	simm.s32 $0x9;
	_ =	strace $0x80000048  }
0xb4: {  	_ =	swait.ge [sflag:s29], $0x1  }
0xb5: {  	[sflag:s29] =	ssyncadd.s32 $0xFFFFFFFF  }
0xb6: {  	_ =	strace $0x90000048  }
0xb7: {  	_ =	sfence  }
0xb8: {  	s30 =	sld [smem:$0x0];
	_ =	sdelay $0x2  }
0xb9: {  	s31 =	sshll.u32 s1, $0xD;
	s1 =	sshrl.u32 s1, $0x2  }
0xba: {  	s3 =	sand.u32 $0x4000, s31;
	s1 =	sadd.s32 s1, s30  }
0xbb: {  	s0 =	sor.u32 s3, s0;
	s1 =	sshll.u32 s1, $0x11  }
0xbc: {  	s0 =	sor.u32 s1, s0  }
0xbd: {  	s0 =	sadd.s32 $0x8F2B, s0  }
0xbe: {  	[sflag:s0] =	ssyncadd.remote.s32 $0x1  }
0xbf: {  	_ =	sfence.sel $0xFFFF  }
0xc0: {  	[dreg:$0x0] =	wrdreg $0xFFFFFFFF;
	(pc) =	sbr.abs _section_cstart, $3  }
0xc1: {  	[dreg:$0x1] =	wrdreg $0xFFFFFFFF  }
0xc2: {  	_ =	task.clear_ibuf [dreg:s7], $0x2FFFF;
	_ =	strace $0x9FFFFFFF  }
0xc3: {  	(tm) =	ssettm $0x7FFFFFFF  }
tec
execute0_lowered:
.L_overlay_start_1:
0x0: {  	(tag) =	ssettag $0x1  }
0x1: {  	s1 =	rddreg [dreg:$0x0]  }
0x2: {  	s5 =	rddreg [dreg:$0x1]  }
0x3: {  	s2 =	rddreg [dreg:$0x2]  }
0x4: {  	s3 =	srdreg.scid;
	s0 =	rddreg [dreg:$0x3]  }
0x5: {  	s4 =	simm.s32 $0x0;
	s17 =	simm.s32 $0x5;
	s18 =	simm.s32 $0x1400  }
0x6: {  	s19 =	simm.s32 $0x80;
	s20 =	simm.s32 $0x6800;
	s21 =	simm.s32 $0x1  }
0x7: {  	s22 =	simm.s32 $0x2;
	s23 =	simm.s32 $0x3;
	s6 =	sand.u32 $0x1, s3  }
0x8: {  	s24 =	simm.s32 $0x4;
	s3 =	stileid.u32;
	s7 =	smul.u32 $0x140000, s6  }
0x9: {  	s25 =	simm.s32 $0x2700;
	s26 =	simm.s32 $0x2780;
	s8 =	smul.u32 $0x14000, s3  }
0xa: {  	s28 =	simm.s32 $0x0;
	[smem:$0x7FF] =	sst s4;
	s9 =	smul.u32 $0x50000, s3  }
0xb: {  	s12 =	sadd.s32 $0x3600, s5;
	s13 =	sadd.s32 $0xD600, s5;
	s29 =	smul.u32 $0x28000, s6  }
0xc: {  	_ =	strace $0x80000047;
	s6 =	ssub.s32 $0x2, s6;
	s10 =	smul.u32 $0x2800, s3  }
0xd: {  	s30 =	sshrl.u32 s6, $0x1;
	s7 =	sadd.s32 s8, s7;
	s31 =	sshrl.u32 s9, $0x2  }
0xe: {  	s15 =	ssub.s32 s6, s30;
	s8 =	sadd.s32 s10, s29;
	s7 =	sshrl.u32 s7, $0x3  }
0xf: {  	s11 =	sshrl.u32 s8, $0x3;
	s15 =	smax.u32 s15, $0x1;
	s14 =	sadd.s32 s7, s5  }
0x10: {  	s5 =	sadd.s32 s31, s2;
	s16 =	sadd.s32 $0x280, s11;
	s10 =	sadd.s32 s12, s11  }
0x11: {  	s11 =	sadd.s32 s13, s11;
	s6 =	sadd.s32 $0x4000, s5;
	s7 =	sadd.s32 $0x8000, s5  }
0x12: {  	s8 =	sadd.s32 $0xC000, s5;
	s9 =	sadd.s32 $0x10000, s5;
	s12 =	sadd.s32 s12, s16  }
0x13: {  	v0 =	vimm.f32 $0.0e+00;
	s13 =	sadd.s32 s13, s16;
	s14 =	sadd.s32 $0x17600, s14;
	s16 =	simm.s32 $0x2800  }
.LBB2_1:
0x14: {  	s29 =	simm.s32 $0x0;
	s30 =	simm.s32 $0x200  }
.LBB2_2:
0x15: {  	p0 =	sne.s32 s30, $0xFE00;
	[tilespmem:s29+$0x2870] =	vst v0  }
0x16: {  	[tilespmem:s29+$0x2800] =	vst v0  }
0x17: {  	[tilespmem:s29+$0x2810] =	vst v0  }
.Ltmp0:
0x18: {  	[tilespmem:s29+$0x2820] =	vst v0;
	(pc) =	sbr.rel @p0 .LBB2_2-.Ltmp0, $4  }
0x19: {  	[tilespmem:s29+$0x2830] =	vst v0  }
0x1a: {  	[tilespmem:s29+$0x2840] =	vst v0  }
0x1b: {  	[tilespmem:s29+$0x2850] =	vst v0  }
0x1c: {  	[tilespmem:s29+$0x2860] =	vst v0;
	s29 =	sshra.s32 s30, $0x2;
	s30 =	sadd.s32 $0x200, s30  }
0x1d: {  	[tilespmem:s29+$0x2870] =	vst v0  }
0x1e: {  	[tilespmem:s29+$0x2800] =	vst v0  }
0x1f: {  	[tilespmem:s29+$0x2810] =	vst v0  }
0x20: {  	[tilespmem:s29+$0x2820] =	vst v0  }
0x21: {  	[tilespmem:s29+$0x2830] =	vst v0  }
0x22: {  	[tilespmem:s29+$0x2840] =	vst v0  }
0x23: {  	[tilespmem:s29+$0x2850] =	vst v0  }
0x24: {  	[tilespmem:s29+$0x2860] =	vst v0  }
0x25: {  	[spmem:s5] =	stream.linear.scatter [tilespmem:s16], [sflag:$0x5], $0x4000, $0x38;
	[tilespmem:$0x1E800] =	vst v63  }
0x26: {  	_ =	swait.ge [sflag:s17], $0x4000  }
0x27: {  	[sflag:s17] =	ssyncset.done $0x0  }
0x28: {  	[sflag:s17] =	ssyncadd.s32 $0xFFFFC000  }
0x29: {  	[spmem:s6] =	stream.linear.scatter [tilespmem:s16], [sflag:$0x5], $0x4000, $0x38;
	[tilespmem:$0x1E800] =	vst v63  }
0x2a: {  	_ =	swait.ge [sflag:s17], $0x4000  }
0x2b: {  	[sflag:s17] =	ssyncset.done $0x0  }
0x2c: {  	[sflag:s17] =	ssyncadd.s32 $0xFFFFC000  }
0x2d: {  	[spmem:s7] =	stream.linear.scatter [tilespmem:s16], [sflag:$0x5], $0x4000, $0x38;
	[tilespmem:$0x1E800] =	vst v63  }
0x2e: {  	_ =	swait.ge [sflag:s17], $0x4000  }
0x2f: {  	[sflag:s17] =	ssyncset.done $0x0  }
0x30: {  	[sflag:s17] =	ssyncadd.s32 $0xFFFFC000  }
0x31: {  	[spmem:s8] =	stream.linear.scatter [tilespmem:s16], [sflag:$0x5], $0x4000, $0x38;
	[tilespmem:$0x1E800] =	vst v63  }
0x32: {  	_ =	swait.ge [sflag:s17], $0x4000  }
0x33: {  	[sflag:s17] =	ssyncset.done $0x0  }
0x34: {  	[sflag:s17] =	ssyncadd.s32 $0xFFFFC000  }
0x35: {  	[spmem:s9] =	stream.linear.scatter [tilespmem:s16], [sflag:$0x5], $0x4000, $0x38;
	[tilespmem:$0x1E800] =	vst v63  }
0x36: {  	_ =	swait.ge [sflag:s17], $0x4000  }
0x37: {  	[sflag:s17] =	ssyncset.done $0x0  }
0x38: {  	[sflag:s17] =	ssyncadd.s32 $0xFFFFC000  }
0x39: {  	s29 =	simm.s32 $0x0;
	[bflag:$0x0] =	sbarrier.arrive $0xFFFF  }
0x3a: {  	[tilespmem:s29], [sflag:$0x5] =	stream.linear.gather [hbm4b:s10+s29], $0x1400, $0x38;
	[tilespmem:$0x1E800] =	vst v63  }
0x3b: {  	_ =	swait.ge [sflag:s17], $0x1400  }
0x3c: {  	[sflag:s17] =	ssyncset.done $0x0  }
0x3d: {  	[sflag:s17] =	ssyncadd.s32 $0xFFFFEC00  }
0x3e: {  	[tilespmem:s18], [sflag:$0x5] =	stream.linear.gather [hbm4b:s11+s29], $0x1400, $0x38;
	[tilespmem:$0x1E800] =	vst v63  }
0x3f: {  	_ =	swait.ge [sflag:s17], $0x1400  }
0x40: {  	[sflag:s17] =	ssyncset.done $0x0  }
0x41: {  	[sflag:s17] =	ssyncadd.s32 $0xFFFFEC00  }
0x42: {  	[tilespmem:s16], [sflag:$0x1] =	stream.indirect.gather [hbm4b:s1+s19], $0x80, s29, s19, $0xb8;
	[tilespmem:$0x1E800] =	vst v63  }
0x43: {  	_ = 	snop  }
0x44: {  	[tilespmem:s20], [sflag:$0x2] =	stream.indirect.gather [hbm4b:s1+s19], $0x80, s19, s19, $0xb8;
	[tilespmem:$0x1E800] =	vst v63  }
0x45: {  	_ =	swait.ge [sflag:s21], $0x4000  }
0x46: {  	[sflag:s21] =	ssyncset.done $0x0  }
0x47: {  	s29 =	simm.s32 $0x1400;
	[sflag:s21] =	ssyncadd.s32 $0xFFFFC000  }
0x48: {  	[spmem:s2] =	stream.indirect.scatter.add.f32 [tilespmem:s16], [sflag:$0x3], $0x80, s29, s19, $0xb8;
	[tilespmem:$0x1E800] =	vst v63  }
0x49: {  	_ =	swait.ge [sflag:s22], $0x4000  }
0x4a: {  	[sflag:s22] =	ssyncset.done $0x0  }
0x4b: {  	s29 =	simm.s32 $0x1480;
	[sflag:s22] =	ssyncadd.s32 $0xFFFFC000  }
0x4c: {  	[spmem:s2] =	stream.indirect.scatter.add.f32 [tilespmem:s20], [sflag:$0x4], $0x80, s29, s19, $0xb8;
	[tilespmem:$0x1E800] =	vst v63  }
0x4d: {  	_ =	swait.ge [sflag:s23], $0x4000  }
0x4e: {  	[sflag:s23] =	ssyncset.done $0x0  }
0x4f: {  	s29 =	simm.s32 $0x100;
	[sflag:s23] =	ssyncadd.s32 $0xFFFFC000  }
0x50: {  	[tilespmem:s16], [sflag:$0x1] =	stream.indirect.gather [hbm4b:s1+s19], $0x80, s29, s19, $0xb8;
	[tilespmem:$0x1E800] =	vst v63  }
0x51: {  	_ =	swait.ge [sflag:s24], $0x4000  }
0x52: {  	[sflag:s24] =	ssyncset.done $0x0  }
0x53: {  	s30 =	simm.s32 $0x180;
	s29 =	simm.s32 $0x400;
	[sflag:s24] =	ssyncadd.s32 $0xFFFFC000  }
.LBB2_4:
0x54: {  	[tilespmem:s20], [sflag:$0x2] =	stream.indirect.gather [hbm4b:s1+s19], $0x80, s30, s19, $0xb8;
	[tilespmem:$0x1E800] =	vst v63  }
0x55: {  	s30 =	smov.u32 s29  }
0x56: {  	p0 =	sne.s32 s29, $0x4800;
	s29 =	sadd.s32 $0x400, s29;
	_ =	swait.ge [sflag:s21], $0x4000  }
0x57: {  	s30 =	sshra.s32 s30, $0x2;
	[sflag:s21] =	ssyncset.done $0x0  }
0x58: {  	s31 =	sadd.s32 $0x1400, s30;
	[sflag:s21] =	ssyncadd.s32 $0xFFFFC000  }
0x59: {  	[spmem:s2] =	stream.indirect.scatter.add.f32 [tilespmem:s16], [sflag:$0x3], $0x80, s31, s19, $0xb8;
	[tilespmem:$0x1E800] =	vst v63  }
0x5a: {  	_ =	swait.ge [sflag:s22], $0x4000  }
0x5b: {  	[sflag:s22] =	ssyncset.done $0x0  }
0x5c: {  	s31 =	sadd.s32 $0x1480, s30;
	[sflag:s22] =	ssyncadd.s32 $0xFFFFC000  }
0x5d: {  	[spmem:s2] =	stream.indirect.scatter.add.f32 [tilespmem:s20], [sflag:$0x4], $0x80, s31, s19, $0xb8;
	[tilespmem:$0x1E800] =	vst v63  }
0x5e: {  	_ =	swait.ge [sflag:s23], $0x4000  }
0x5f: {  	[sflag:s23] =	ssyncset.done $0x0  }
.Ltmp1:
0x60: {  	s31 =	sadd.s32 $0x100, s30;
	[sflag:s23] =	ssyncadd.s32 $0xFFFFC000;
	(pc) =	sbr.rel @p0 .LBB2_4-.Ltmp1, $4  }
0x61: {  	[tilespmem:s16], [sflag:$0x1] =	stream.indirect.gather [hbm4b:s1+s19], $0x80, s31, s19, $0xb8;
	[tilespmem:$0x1E800] =	vst v63  }
0x62: {  	_ =	swait.ge [sflag:s24], $0x4000  }
0x63: {  	[sflag:s24] =	ssyncset.done $0x0  }
0x64: {  	s30 =	sadd.s32 $0x180, s30;
	[sflag:s24] =	ssyncadd.s32 $0xFFFFC000  }
0x65: {  	[tilespmem:s20], [sflag:$0x2] =	stream.indirect.gather [hbm4b:s1+s19], $0x80, s30, s19, $0xb8;
	[tilespmem:$0x1E800] =	vst v63  }
0x66: {  	_ =	swait.ge [sflag:s21], $0x4000  }
0x67: {  	[sflag:s21] =	ssyncset.done $0x0  }
0x68: {  	[sflag:s21] =	ssyncadd.s32 $0xFFFFC000  }
0x69: {  	[spmem:s2] =	stream.indirect.scatter.add.f32 [tilespmem:s16], [sflag:$0x3], $0x80, s25, s19, $0xb8;
	[tilespmem:$0x1E800] =	vst v63  }
0x6a: {  	_ =	swait.ge [sflag:s22], $0x4000  }
0x6b: {  	[sflag:s22] =	ssyncset.done $0x0  }
0x6c: {  	[sflag:s22] =	ssyncadd.s32 $0xFFFFC000  }
0x6d: {  	[spmem:s2] =	stream.indirect.scatter.add.f32 [tilespmem:s20], [sflag:$0x4], $0x80, s26, s19, $0xb8;
	[tilespmem:$0x1E800] =	vst v63  }
0x6e: {  	_ =	swait.ge [sflag:s23], $0x4000  }
0x6f: {  	[sflag:s23] =	ssyncset.done $0x0  }
0x70: {  	s29 =	simm.s32 $0x0;
	[sflag:s23] =	ssyncadd.s32 $0xFFFFC000  }
0x71: {  	[tilespmem:s16], [sflag:$0x1] =	stream.indirect.gather [hbm4b:s1+s19], $0x80, s29, s19, $0xb8;
	[tilespmem:$0x1E800] =	vst v63  }
0x72: {  	_ =	swait.ge [sflag:s24], $0x4000  }
0x73: {  	[sflag:s24] =	ssyncset.done $0x0  }
0x74: {  	[sflag:s24] =	ssyncadd.s32 $0xFFFFC000  }
0x75: {  	[tilespmem:s20], [sflag:$0x2] =	stream.indirect.gather [hbm4b:s1+s19], $0x80, s19, s19, $0xb8;
	[tilespmem:$0x1E800] =	vst v63  }
0x76: {  	_ =	swait.ge [sflag:s21], $0x4000  }
0x77: {  	[sflag:s21] =	ssyncset.done $0x0  }
0x78: {  	[sflag:s21] =	ssyncadd.s32 $0xFFFFC000  }
0x79: {  	_ =	swait.ge [sflag:s22], $0x4000  }
0x7a: {  	[sflag:s22] =	ssyncset.done $0x0  }
0x7b: {  	[sflag:s22] =	ssyncadd.s32 $0xFFFFC000  }
0x7c: {  	[tilespmem:s29], [sflag:$0x5] =	stream.linear.gather [hbm4b:s12+s29], $0x1400, $0x38;
	[tilespmem:$0x1E800] =	vst v63  }
0x7d: {  	_ =	swait.ge [sflag:s17], $0x1400  }
0x7e: {  	[sflag:s17] =	ssyncset.done $0x0  }
0x7f: {  	[sflag:s17] =	ssyncadd.s32 $0xFFFFEC00  }
0x80: {  	[tilespmem:s18], [sflag:$0x5] =	stream.linear.gather [hbm4b:s13+s29], $0x1400, $0x38;
	[tilespmem:$0x1E800] =	vst v63  }
0x81: {  	_ =	swait.ge [sflag:s17], $0x1400  }
0x82: {  	[sflag:s17] =	ssyncset.done $0x0  }
0x83: {  	[sflag:s17] =	ssyncadd.s32 $0xFFFFEC00  }
0x84: {  	[tilespmem:s16], [sflag:$0x1] =	stream.indirect.gather [hbm4b:s1+s19], $0x80, s29, s19, $0xb8;
	[tilespmem:$0x1E800] =	vst v63  }
0x85: {  	_ = 	snop  }
0x86: {  	[tilespmem:s20], [sflag:$0x2] =	stream.indirect.gather [hbm4b:s1+s19], $0x80, s19, s19, $0xb8;
	[tilespmem:$0x1E800] =	vst v63  }
0x87: {  	_ =	swait.ge [sflag:s21], $0x4000  }
0x88: {  	[sflag:s21] =	ssyncset.done $0x0  }
0x89: {  	s29 =	simm.s32 $0x1400;
	[sflag:s21] =	ssyncadd.s32 $0xFFFFC000  }
0x8a: {  	[spmem:s2] =	stream.indirect.scatter.add.f32 [tilespmem:s16], [sflag:$0x3], $0x80, s29, s19, $0xb8;
	[tilespmem:$0x1E800] =	vst v63  }
0x8b: {  	_ =	swait.ge [sflag:s22], $0x4000  }
0x8c: {  	[sflag:s22] =	ssyncset.done $0x0  }
0x8d: {  	s29 =	simm.s32 $0x1480;
	[sflag:s22] =	ssyncadd.s32 $0xFFFFC000  }
0x8e: {  	[spmem:s2] =	stream.indirect.scatter.add.f32 [tilespmem:s20], [sflag:$0x4], $0x80, s29, s19, $0xb8;
	[tilespmem:$0x1E800] =	vst v63  }
0x8f: {  	_ =	swait.ge [sflag:s23], $0x4000  }
0x90: {  	[sflag:s23] =	ssyncset.done $0x0  }
0x91: {  	s29 =	simm.s32 $0x100;
	[sflag:s23] =	ssyncadd.s32 $0xFFFFC000  }
0x92: {  	[tilespmem:s16], [sflag:$0x1] =	stream.indirect.gather [hbm4b:s1+s19], $0x80, s29, s19, $0xb8;
	[tilespmem:$0x1E800] =	vst v63  }
0x93: {  	_ =	swait.ge [sflag:s24], $0x4000  }
0x94: {  	[sflag:s24] =	ssyncset.done $0x0  }
0x95: {  	s30 =	simm.s32 $0x180;
	s29 =	simm.s32 $0x400;
	[sflag:s24] =	ssyncadd.s32 $0xFFFFC000  }
.LBB2_6:
0x96: {  	[tilespmem:s20], [sflag:$0x2] =	stream.indirect.gather [hbm4b:s1+s19], $0x80, s30, s19, $0xb8;
	[tilespmem:$0x1E800] =	vst v63  }
0x97: {  	s30 =	smov.u32 s29  }
0x98: {  	p0 =	sne.s32 s29, $0x4800;
	s29 =	sadd.s32 $0x400, s29;
	_ =	swait.ge [sflag:s21], $0x4000  }
0x99: {  	s30 =	sshra.s32 s30, $0x2;
	[sflag:s21] =	ssyncset.done $0x0  }
0x9a: {  	s31 =	sadd.s32 $0x1400, s30;
	[sflag:s21] =	ssyncadd.s32 $0xFFFFC000  }
0x9b: {  	[spmem:s2] =	stream.indirect.scatter.add.f32 [tilespmem:s16], [sflag:$0x3], $0x80, s31, s19, $0xb8;
	[tilespmem:$0x1E800] =	vst v63  }
0x9c: {  	_ =	swait.ge [sflag:s22], $0x4000  }
0x9d: {  	[sflag:s22] =	ssyncset.done $0x0  }
0x9e: {  	s31 =	sadd.s32 $0x1480, s30;
	[sflag:s22] =	ssyncadd.s32 $0xFFFFC000  }
0x9f: {  	[spmem:s2] =	stream.indirect.scatter.add.f32 [tilespmem:s20], [sflag:$0x4], $0x80, s31, s19, $0xb8;
	[tilespmem:$0x1E800] =	vst v63  }
0xa0: {  	_ =	swait.ge [sflag:s23], $0x4000  }
0xa1: {  	[sflag:s23] =	ssyncset.done $0x0  }
.Ltmp2:
0xa2: {  	s31 =	sadd.s32 $0x100, s30;
	[sflag:s23] =	ssyncadd.s32 $0xFFFFC000;
	(pc) =	sbr.rel @p0 .LBB2_6-.Ltmp2, $4  }
0xa3: {  	[tilespmem:s16], [sflag:$0x1] =	stream.indirect.gather [hbm4b:s1+s19], $0x80, s31, s19, $0xb8;
	[tilespmem:$0x1E800] =	vst v63  }
0xa4: {  	_ =	swait.ge [sflag:s24], $0x4000  }
0xa5: {  	[sflag:s24] =	ssyncset.done $0x0  }
0xa6: {  	s30 =	sadd.s32 $0x180, s30;
	[sflag:s24] =	ssyncadd.s32 $0xFFFFC000  }
0xa7: {  	[tilespmem:s20], [sflag:$0x2] =	stream.indirect.gather [hbm4b:s1+s19], $0x80, s30, s19, $0xb8;
	[tilespmem:$0x1E800] =	vst v63  }
0xa8: {  	_ =	swait.ge [sflag:s21], $0x4000  }
0xa9: {  	[sflag:s21] =	ssyncset.done $0x0  }
0xaa: {  	[sflag:s21] =	ssyncadd.s32 $0xFFFFC000  }
0xab: {  	[spmem:s2] =	stream.indirect.scatter.add.f32 [tilespmem:s16], [sflag:$0x3], $0x80, s25, s19, $0xb8;
	[tilespmem:$0x1E800] =	vst v63  }
0xac: {  	_ =	swait.ge [sflag:s22], $0x4000  }
0xad: {  	[sflag:s22] =	ssyncset.done $0x0  }
0xae: {  	[sflag:s22] =	ssyncadd.s32 $0xFFFFC000  }
0xaf: {  	[spmem:s2] =	stream.indirect.scatter.add.f32 [tilespmem:s20], [sflag:$0x4], $0x80, s26, s19, $0xb8;
	[tilespmem:$0x1E800] =	vst v63  }
0xb0: {  	_ =	swait.ge [sflag:s23], $0x4000  }
0xb1: {  	[sflag:s23] =	ssyncset.done $0x0  }
0xb2: {  	[sflag:s23] =	ssyncadd.s32 $0xFFFFC000  }
0xb3: {  	[tilespmem:s16], [sflag:$0x1] =	stream.indirect.gather [hbm4b:s1+s19], $0x80, s4, s19, $0xb8;
	[tilespmem:$0x1E800] =	vst v63  }
0xb4: {  	_ =	swait.ge [sflag:s24], $0x4000  }
0xb5: {  	[sflag:s24] =	ssyncset.done $0x0  }
0xb6: {  	[sflag:s24] =	ssyncadd.s32 $0xFFFFC000  }
0xb7: {  	[tilespmem:s20], [sflag:$0x2] =	stream.indirect.gather [hbm4b:s1+s19], $0x80, s19, s19, $0xb8;
	[tilespmem:$0x1E800] =	vst v63  }
0xb8: {  	_ =	swait.ge [sflag:s21], $0x4000  }
0xb9: {  	[sflag:s21] =	ssyncset.done $0x0  }
0xba: {  	[sflag:s21] =	ssyncadd.s32 $0xFFFFC000  }
0xbb: {  	_ =	swait.ge [sflag:s22], $0x4000  }
0xbc: {  	s29 =	sshll.u32 s3, $0x6;
	s28 =	sadd.s32 $0x1, s28;
	[sflag:s22] =	ssyncset.done $0x0  }
0xbd: {  	s31 =	sshrl.u32 s5, $0x3;
	p0 =	sne.s32 s28, s15;
	[sflag:s22] =	ssyncadd.s32 $0xFFFFC000  }
.Ltmp3:
0xbe: {  	s29 =	sor.u32 $0x1C05, s29;
	[bflag:$0x0] =	sbarrier.arrive $0xFFFF;
	(pc) =	sbr.rel @p0 .LBB2_1-.Ltmp3, $4  }
0xbf: {  	[hbm:s14], [sflag:s29] =	dma.local [spmem:s31], $0x2800  }
0xc0: {  	_ =	swait.ge [sflag:s17], $0x2800  }
0xc1: {  	[sflag:s17] =	ssyncset.done $0x0  }
0xc2: {  	[sflag:s17] =	ssyncadd.s32 $0xFFFFD800  }
0xc3: {  	_ =	sfence.sel $0x180000  }
0xc4: {  	[bflag:$0x0] =	sbarrier.arrive $0xFFFF  }
0xc5: {  	p0 =	sne.s32 s3, $0x0;
	_ =	strace $0x90000047  }
0xc6: {  	s0 =	sadd.s32 @!p0 $0x100000, s0;
	[bflag:$0x2] =	sbarrier.arrive $0xFFFF  }
0xc7: {  	[sflag:s0] =	ssyncadd.tile.s32 @!p0 $0x1;
	_ =	shalt  }
.Lfunc_end2:
_tile_overlayer_lowered:
.L_overlay_start_2:
0xc8: {  	(tag) =	ssettag $0x2  }
0xc9: {  	s0 =	rddreg [dreg:$0x0];
	s2 =	stileid.u32  }
0xca: {  	s1 =	rddreg [dreg:$0x1];
	p0 =	sne.s32 s2, $0x0  }
0xcb: {  	s3 =	rddreg [dreg:$0x2];
	[bflag:$0x3] =	sbarrier.arrive $0xFFFF;
	s2 =	simm.s32 @!p0 $0x1C05  }
0xcc: {  	[timem:s3], [sflag:s2] =	dma.local @!p0 [hbm:s0], s1  }
0xcd: {  	s0 =	simm.s32 @!p0 $0x5  }
0xce: {  	_ =	swait.ge @!p0 [sflag:s0], s1  }
0xcf: {  	s1 =	ssub.s32 @!p0 $0x0, s1;
	[sflag:s0] =	ssyncset.done @!p0 $0x0  }
0xd0: {  	[sflag:s0] =	ssyncadd.s32 @!p0 s1  }
0xd1: {  	[bflag:$0x3] =	sbarrier.arrive $0xFFFF  }
0xd2: {  	_ =	shalt  }

// kernel: kernel.9.cloned.1.call-start
scs
__scs_entry_jumppad:
0x0: {  	(pc) =	sbr.rel $0x88, $3  }
0x1: {  	(tag) =	ssettag $0x0;
	lr =	simm.s32 $0x1  }
0x2: {  	[smem:$0x3F92] =	sst lr;
	_ =	strace $0xD0000000  }
0x3: {  	_ = 	snop  }
0x4: {  	_ = 	snop  }
0x5: {  	_ = 	snop  }
0x6: {  	_ = 	snop  }
0x7: {  	_ = 	snop  }
__scs_overlays_trampoline_lowered:
0x8: {  	[smem:$0x3FA1] =	sst s0  }
0x9: {  	[smem:$0x3FA2] =	sst s1  }
0xa: {  	[smem:$0x3FA3] =	sst s2  }
0xb: {  	[smem:$0x3FA4] =	sst s3  }
0xc: {  	[smem:$0x3FA5] =	sst s4  }
0xd: {  	[smem:$0x3FA6] =	sst s5  }
0xe: {  	[smem:$0x3FA7] =	sst s6  }
0xf: {  	[smem:$0x3FA8] =	sst s7  }
0x10: {  	[smem:$0x3FA9] =	sst s8  }
0x11: {  	[smem:$0x3FAA] =	sst s9;
	s0 =	simm.s32 @!p0 $0x0  }
0x12: {  	s1 =	sld [smem:$0x3F90];
	s0 =	simm.s32 @p0 $0x1  }
0x13: {  	[smem:$0x3FAB] =	sst s0;
	s0 =	simm.s32 @!p1 $0x0  }
0x14: {  	s2 =	sld [smem:$0x3F8F];
	s0 =	simm.s32 @p1 $0x1  }
0x15: {  	[smem:$0x3FAC] =	sst s0;
	s0 =	simm.s32 @!p2 $0x0  }
0x16: {  	s3 =	sld [smem:$0x3FDB];
	s0 =	simm.s32 @p2 $0x1  }
0x17: {  	s4 =	simm.s32 $0x1BF5;
	[smem:$0x3FAE] =	sst s0  }
0x18: {  	s0 =	sld [smem:$0x3F91];
	_ =	swait.ge [sflag:s4], $0x0  }
0x19: {  	s7 =	sld [smem:$0x3F92]  }
0x1a: {  	s8 =	sadd.s32 $0xFFFFE003, lr  }
0x1b: {  	s9 =	sadd.s32 $0xFFFFFEF7, lr;
	s5 =	simm.s32 $0xFFFFFFFF;
	p2 =	slt.u32 s8, $0xFFFFF086  }
0x1c: {  	p1 =	slt.u32 s9, $0xF7A;
	s5 =	simm.s32 @!p2 $0x0  }
0x1d: {  	s5 =	simm.s32 @p1 $0x1;
	p0 =	seq.s32 s7, s2  }
0x1e: {  	s7 =	smul.u32 @!p0 $0xF7A, s2;
	p2 =	seq.s32 @!p0 s5, $0x0  }
0x1f: {  	s9 =	smul.u32 $0xF7A, s1;
	s8 =	simm.s32 @!p0 $0x1BF5;
	p2 =	por !p2, p0  }
0x20: {  	[sflag:s8] =	ssyncset.s32 @!p0 $0xFFFFF086;
	s6 =	sadd.s32 @!p0 s3, s7;
	s7 =	simm.s32 @!p0 $0x108  }
0x21: {  	s3 =	sadd.s32 s3, s9;
	s6 =	sadd.s32 @!p0 $0x88, s6;
	s7 =	simm.s32 @p2 $0x1082  }
0x22: {  	[simem:s7], [sflag:s8] =	dma.local @!p0 [hbm:s6], $0xF7A  }
0x23: {  	s9 =	sor.u32 $0xD0000000, s2;
	s6 =	simm.s32 $0x108;
	_ =	swait.ge @!p0 [sflag:s8], $0x0  }
0x24: {  	s3 =	sadd.s32 $0x88, s3;
	s6 =	simm.s32 @!p1 $0x1082;
	[sflag:s4] =	ssyncset.s32 $0xFFFFF086  }
0x25: {  	[simem:s6], [sflag:s4] =	dma.local [hbm:s3], $0xF7A  }
0x26: {  	[smem:$0x3F92] =	sst s1;
	(tag) =	ssettag s2;
	_ =	strace s9  }
0x27: {  	s1 =	sld [smem:$0x3FA2]  }
0x28: {  	s2 =	sld [smem:$0x3FA3]  }
0x29: {  	s4 =	sld [smem:$0x3FA5]  }
0x2a: {  	p0 =	seq.s32 s5, $0x0;
	s5 =	sld [smem:$0x3FA6]  }
0x2b: {  	s6 =	sld [smem:$0x3FA7]  }
0x2c: {  	s7 =	sld [smem:$0x3FA8]  }
0x2d: {  	s3 =	simm.s32 $0x108;
	s8 =	sld [smem:$0x3FA9]  }
0x2e: {  	s3 =	simm.s32 @!p0 $0x1082;
	s9 =	sld [smem:$0x3FAA]  }
0x2f: {  	lr =	sadd.s32 s0, s3;
	s0 =	sld [smem:$0x3FA1]  }
0x30: {  	s3 =	sld [smem:$0x3FA4]  }
0x31: {  	[smem:$0x3FAD] =	sst s10  }
0x32: {  	s10 =	sld [smem:$0x3FAB];
	_ =	sdelay $0x3  }
0x33: {  	p0 =	seq.s32 s10, $0x1;
	s10 =	sld [smem:$0x3FAD];
	_ =	sdelay $0x3  }
0x34: {  	[smem:$0x3FAD] =	sst s10  }
0x35: {  	s10 =	sld [smem:$0x3FAC];
	_ =	sdelay $0x3  }
0x36: {  	p1 =	seq.s32 s10, $0x1;
	s10 =	sld [smem:$0x3FAD];
	_ =	sdelay $0x3  }
0x37: {  	[smem:$0x3FAD] =	sst s10  }
0x38: {  	s10 =	sld [smem:$0x3FAE]  }
0x39: {  	_ = 	snop;
	(pc) =	sbr.ind lr, $3  }
0x3a: {  	_ = 	snop  }
0x3b: {  	_ = 	snop  }
0x3c: {  	p2 =	seq.s32 s10, $0x1;
	s10 =	sld [smem:$0x3FAD]  }
0x3d: {  	_ =	shalt  }
0x3e: {  	_ =	shalt  }
0x3f: {  	_ =	shalt  }
0x40: {  	_ =	shalt  }
0x41: {  	_ =	shalt  }
0x42: {  	_ =	shalt  }
0x43: {  	_ =	shalt  }
0x44: {  	_ =	shalt  }
0x45: {  	_ =	shalt  }
0x46: {  	_ =	shalt  }
0x47: {  	_ =	shalt  }
0x48: {  	_ =	shalt  }
0x49: {  	_ =	shalt  }
0x4a: {  	_ =	shalt  }
0x4b: {  	_ =	shalt  }
0x4c: {  	_ =	shalt  }
0x4d: {  	_ =	shalt  }
0x4e: {  	_ =	shalt  }
0x4f: {  	_ =	shalt  }
0x50: {  	_ =	shalt  }
0x51: {  	_ =	shalt  }
0x52: {  	_ =	shalt  }
0x53: {  	_ =	shalt  }
0x54: {  	_ =	shalt  }
0x55: {  	_ =	shalt  }
0x56: {  	_ =	shalt  }
0x57: {  	_ =	shalt  }
0x58: {  	_ =	shalt  }
0x59: {  	_ =	shalt  }
0x5a: {  	_ =	shalt  }
0x5b: {  	_ =	shalt  }
0x5c: {  	_ =	shalt  }
0x5d: {  	_ =	shalt  }
0x5e: {  	_ =	shalt  }
0x5f: {  	_ =	shalt  }
0x60: {  	_ =	shalt  }
0x61: {  	_ =	shalt  }
0x62: {  	_ =	shalt  }
0x63: {  	_ =	shalt  }
0x64: {  	_ =	shalt  }
0x65: {  	_ =	shalt  }
0x66: {  	_ =	shalt  }
0x67: {  	_ =	shalt  }
0x68: {  	_ =	shalt  }
0x69: {  	_ =	shalt  }
0x6a: {  	_ =	shalt  }
0x6b: {  	_ =	shalt  }
0x6c: {  	_ =	shalt  }
0x6d: {  	_ =	shalt  }
0x6e: {  	_ =	shalt  }
0x6f: {  	_ =	shalt  }
0x70: {  	_ =	shalt  }
0x71: {  	_ =	shalt  }
0x72: {  	_ =	shalt  }
0x73: {  	_ =	shalt  }
0x74: {  	_ =	shalt  }
0x75: {  	_ =	shalt  }
0x76: {  	_ =	shalt  }
0x77: {  	_ =	shalt  }
0x78: {  	_ =	shalt  }
0x79: {  	_ =	shalt  }
0x7a: {  	_ =	shalt  }
0x7b: {  	_ =	shalt  }
0x7c: {  	_ =	shalt  }
0x7d: {  	_ =	shalt  }
0x7e: {  	_ =	shalt  }
0x7f: {  	_ =	shalt  }
0x80: {  	_ =	shalt  }
0x81: {  	_ =	shalt  }
0x82: {  	_ =	shalt  }
0x83: {  	_ =	shalt  }
0x84: {  	_ =	shalt  }
0x85: {  	_ =	shalt  }
0x86: {  	_ =	shalt  }
0x87: {  	_ =	shalt  }
.Lfunc_end0:
.L_simem_size_0:
called_computation.1_lowered:
.L_overlay_start_0:
0x88: {  	s2 =	sld [smem:$0x3FD9]  }
0x89: {  	s3 =	sld [smem:$0x3FFE];
	_ =	sdelay $0x1  }
0x8a: {  	s1 =	srdreg.scid  }
0x8b: {  	s0 =	sand.u32 $0x1, s1  }
0x8c: {  	s14 =	sshll.u32 s0, $0xA;
	s2 =	sadd.s32 s3, s2  }
0x8d: {  	s2 =	sadd.s32 s2, s14  }
0x8e: {  	[smem:$0x3FB9] =	sst s2  }
0x8f: {  	_ = 	snop  }
0x90: {  	s2 =	sld [smem:$0x3FD0];
	_ =	sdelay $0x2  }
0x91: {  	s15 =	simm.s32 $0xA;
	s4 =	simm.s32 $0x10  }
0x92: {  	[smem:s4], [sflag:s15] =	dma.local [hbm:s2], $0x1  }
0x93: {  	_ =	swait.eq [sflag:s15], $0x1  }
0x94: {  	[sflag:s15] =	ssyncset.done $0x0  }
0x95: {  	[sflag:s15] =	ssyncadd.s32 $0xFFFFFFFF  }
0x96: {  	s16 =	sld [smem:$0x10];
	(tm) =	ssettm $0x1  }
0x97: {  	s17 =	sld [smem:$0x3FFB];
	_ =	sdelay $0x3  }
0x98: {  	_ =	strace s17  }
0x99: {  	s3 =	sld [smem:$0x3FFC];
	_ =	sdelay $0x3  }
0x9a: {  	_ =	strace s3  }
0x9b: {  	s3 =	sld [smem:$0x3FFD];
	_ =	sdelay $0x3  }
0x9c: {  	_ =	strace s3  }
0x9d: {  	_ =	strace $0x8FFFFFFF  }
0x9e: {  	s18 =	sld [smem:$0x3FDB];
	_ =	sdelay $0x1  }
0x9f: {  	s19 =	simm.s32 $_scs_section_size  }
0xa0: {  	s5 =	simm.s32 $_size__tile_overlayer_lowered;
	s6 =	simm.s32 $_tile_overlayer_lowered  }
0xa1: {  	s22 =	simm.s32 $0x1BFF;
	s21 =	sshll.u32 s6, $0x1;
	s3 =	sadd.s32 s19, s18  }
0xa2: {  	s7 =	simm.s32 $0x0;
	s20 =	sshll.u32 s5, $0x1;
	s5 =	sadd.s32 s21, s3  }
0xa3: {  	[timem:s7], [sflag:s22] =	dma.local [hbm:s5], s20  }
0xa4: {  	_ =	swait.ge [sflag:s22], s20  }
0xa5: {  	s4 =	ssub.s32 $0x0, s20;
	[sflag:s22] =	ssyncset.done $0x0  }
0xa6: {  	[sflag:s22] =	ssyncadd.s32 s4;
	_ =	sdelay $0x1  }
0xa7: {  	s23 =	simm.s32 $0x1B8B  }
0xa8: {  	_ =	swait.ge [sflag:s23], $0x1  }
0xa9: {  	[sflag:s23] =	ssyncset.done $0x0  }
0xaa: {  	s25 =	simm.s32 $0x1B8E;
	s24 =	sld [smem:$0x3FFE];
	[sflag:s23] =	ssyncadd.s32 $0xFFFFFFFF  }
0xab: {  	s26 =	simm.s32 $execute0_lowered;
	[smem:$0x3FD2] =	sst s25  }
0xac: {  	s5 =	sshll.u32 s26, $0x1;
	_ =	strace $0x80000049;
	[dreg:$0x1] =	wrdreg $0xFFFFFFFF  }
0xad: {  	s28 =	simm.s32 $_size_execute0_lowered;
	s3 =	sadd.s32 s3, s5;
	[dreg:$0x0] =	wrdreg $0x0  }
0xae: {  	s5 =	sshll.u32 s28, $0x1;
	[dreg:$0x2] =	wrdreg s3  }
0xaf: {  	[dreg:$0x3] =	wrdreg s5  }
0xb0: {  	[dreg:$0x4] =	wrdreg $0xC0  }
0xb1: {  	_ =	task [dreg:s7], $0x5FFFF  }
0xb2: {  	[dreg:$0x1] =	wrdreg $0xFFFFFFFF  }
0xb3: {  	[dreg:$0x0] =	wrdreg $0x60  }
0xb4: {  	[dreg:$0x2] =	wrdreg s16  }
0xb5: {  	[dreg:$0x3] =	wrdreg s24  }
0xb6: {  	[dreg:$0x4] =	wrdreg $0xA8000  }
0xb7: {  	[dreg:$0x5] =	wrdreg $0x9  }
0xb8: {  	_ =	task.clear_ibuf [dreg:s7], $0x6FFFF;
	_ =	strace $0x90000049  }
0xb9: {  	s29 =	simm.s32 $0x9;
	_ =	strace $0x8000004B  }
0xba: {  	_ =	swait.ge [sflag:s29], $0x1  }
0xbb: {  	[sflag:s29] =	ssyncadd.s32 $0xFFFFFFFF  }
0xbc: {  	_ =	strace $0x9000004B  }
0xbd: {  	_ =	sfence  }
0xbe: {  	s30 =	sld [smem:$0x0];
	_ =	sdelay $0x2  }
0xbf: {  	s31 =	sshll.u32 s1, $0xD;
	s1 =	sshrl.u32 s1, $0x2  }
0xc0: {  	s3 =	sand.u32 $0x4000, s31;
	s1 =	sadd.s32 s1, s30  }
0xc1: {  	s0 =	sor.u32 s3, s0;
	s1 =	sshll.u32 s1, $0x11  }
0xc2: {  	s0 =	sor.u32 s1, s0  }
0xc3: {  	s0 =	sadd.s32 $0x8F2B, s0  }
0xc4: {  	[sflag:s0] =	ssyncadd.remote.s32 $0x1  }
0xc5: {  	_ =	sfence.sel $0xFFFF  }
0xc6: {  	[dreg:$0x0] =	wrdreg $0xFFFFFFFF;
	(pc) =	sbr.abs _section_cstart, $3  }
0xc7: {  	[dreg:$0x1] =	wrdreg $0xFFFFFFFF  }
0xc8: {  	_ =	task.clear_ibuf [dreg:s7], $0x2FFFF;
	_ =	strace $0x9FFFFFFF  }
0xc9: {  	(tm) =	ssettm $0x7FFFFFFF  }
tec
execute0_lowered:
.L_overlay_start_1:
0x0: {  	(tag) =	ssettag $0x1  }
0x1: {  	s1 =	rddreg [dreg:$0x0]  }
0x2: {  	s5 =	rddreg [dreg:$0x1]  }
0x3: {  	s2 =	rddreg [dreg:$0x2]  }
0x4: {  	s3 =	srdreg.scid;
	s0 =	rddreg [dreg:$0x3]  }
0x5: {  	s4 =	simm.s32 $0x0;
	s17 =	simm.s32 $0x5;
	s18 =	simm.s32 $0x1400  }
0x6: {  	s19 =	simm.s32 $0x80;
	s20 =	simm.s32 $0x6800;
	s21 =	simm.s32 $0x1  }
0x7: {  	s22 =	simm.s32 $0x2;
	s23 =	simm.s32 $0x3;
	s6 =	sand.u32 $0x1, s3  }
0x8: {  	s24 =	simm.s32 $0x4;
	s3 =	stileid.u32;
	s7 =	smul.u32 $0x140000, s6  }
0x9: {  	s25 =	simm.s32 $0x2700;
	s26 =	simm.s32 $0x2780;
	s8 =	smul.u32 $0x14000, s3  }
0xa: {  	s28 =	simm.s32 $0x0;
	[smem:$0x7FF] =	sst s4;
	s9 =	smul.u32 $0x50000, s3  }
0xb: {  	s12 =	sadd.s32 $0x3600, s5;
	s13 =	sadd.s32 $0xD600, s5;
	s29 =	smul.u32 $0x28000, s6  }
0xc: {  	_ =	strace $0x8000004A;
	s6 =	ssub.s32 $0x2, s6;
	s10 =	smul.u32 $0x2800, s3  }
0xd: {  	s30 =	sshrl.u32 s6, $0x1;
	s7 =	sadd.s32 s8, s7;
	s31 =	sshrl.u32 s9, $0x2  }
0xe: {  	s15 =	ssub.s32 s6, s30;
	s8 =	sadd.s32 s10, s29;
	s7 =	sshrl.u32 s7, $0x3  }
0xf: {  	s11 =	sshrl.u32 s8, $0x3;
	s15 =	smax.u32 s15, $0x1;
	s14 =	sadd.s32 s7, s5  }
0x10: {  	s5 =	sadd.s32 s31, s2;
	s16 =	sadd.s32 $0x280, s11;
	s10 =	sadd.s32 s12, s11  }
0x11: {  	s11 =	sadd.s32 s13, s11;
	s6 =	sadd.s32 $0x4000, s5;
	s7 =	sadd.s32 $0x8000, s5  }
0x12: {  	s8 =	sadd.s32 $0xC000, s5;
	s9 =	sadd.s32 $0x10000, s5;
	s12 =	sadd.s32 s12, s16  }
0x13: {  	v0 =	vimm.f32 $0.0e+00;
	s13 =	sadd.s32 s13, s16;
	s14 =	sadd.s32 $0x17600, s14;
	s16 =	simm.s32 $0x2800  }
.LBB2_1:
0x14: {  	s29 =	simm.s32 $0x0;
	s30 =	simm.s32 $0x200  }
.LBB2_2:
0x15: {  	p0 =	sne.s32 s30, $0xFE00;
	[tilespmem:s29+$0x2870] =	vst v0  }
0x16: {  	[tilespmem:s29+$0x2800] =	vst v0  }
0x17: {  	[tilespmem:s29+$0x2810] =	vst v0  }
.Ltmp0:
0x18: {  	[tilespmem:s29+$0x2820] =	vst v0;
	(pc) =	sbr.rel @p0 .LBB2_2-.Ltmp0, $4  }
0x19: {  	[tilespmem:s29+$0x2830] =	vst v0  }
0x1a: {  	[tilespmem:s29+$0x2840] =	vst v0  }
0x1b: {  	[tilespmem:s29+$0x2850] =	vst v0  }
0x1c: {  	[tilespmem:s29+$0x2860] =	vst v0;
	s29 =	sshra.s32 s30, $0x2;
	s30 =	sadd.s32 $0x200, s30  }
0x1d: {  	[tilespmem:s29+$0x2870] =	vst v0  }
0x1e: {  	[tilespmem:s29+$0x2800] =	vst v0  }
0x1f: {  	[tilespmem:s29+$0x2810] =	vst v0  }
0x20: {  	[tilespmem:s29+$0x2820] =	vst v0  }
0x21: {  	[tilespmem:s29+$0x2830] =	vst v0  }
0x22: {  	[tilespmem:s29+$0x2840] =	vst v0  }
0x23: {  	[tilespmem:s29+$0x2850] =	vst v0  }
0x24: {  	[tilespmem:s29+$0x2860] =	vst v0  }
0x25: {  	[spmem:s5] =	stream.linear.scatter [tilespmem:s16], [sflag:$0x5], $0x4000, $0x38;
	[tilespmem:$0x1E800] =	vst v63  }
0x26: {  	_ =	swait.ge [sflag:s17], $0x4000  }
0x27: {  	[sflag:s17] =	ssyncset.done $0x0  }
0x28: {  	[sflag:s17] =	ssyncadd.s32 $0xFFFFC000  }
0x29: {  	[spmem:s6] =	stream.linear.scatter [tilespmem:s16], [sflag:$0x5], $0x4000, $0x38;
	[tilespmem:$0x1E800] =	vst v63  }
0x2a: {  	_ =	swait.ge [sflag:s17], $0x4000  }
0x2b: {  	[sflag:s17] =	ssyncset.done $0x0  }
0x2c: {  	[sflag:s17] =	ssyncadd.s32 $0xFFFFC000  }
0x2d: {  	[spmem:s7] =	stream.linear.scatter [tilespmem:s16], [sflag:$0x5], $0x4000, $0x38;
	[tilespmem:$0x1E800] =	vst v63  }
0x2e: {  	_ =	swait.ge [sflag:s17], $0x4000  }
0x2f: {  	[sflag:s17] =	ssyncset.done $0x0  }
0x30: {  	[sflag:s17] =	ssyncadd.s32 $0xFFFFC000  }
0x31: {  	[spmem:s8] =	stream.linear.scatter [tilespmem:s16], [sflag:$0x5], $0x4000, $0x38;
	[tilespmem:$0x1E800] =	vst v63  }
0x32: {  	_ =	swait.ge [sflag:s17], $0x4000  }
0x33: {  	[sflag:s17] =	ssyncset.done $0x0  }
0x34: {  	[sflag:s17] =	ssyncadd.s32 $0xFFFFC000  }
0x35: {  	[spmem:s9] =	stream.linear.scatter [tilespmem:s16], [sflag:$0x5], $0x4000, $0x38;
	[tilespmem:$0x1E800] =	vst v63  }
0x36: {  	_ =	swait.ge [sflag:s17], $0x4000  }
0x37: {  	[sflag:s17] =	ssyncset.done $0x0  }
0x38: {  	[sflag:s17] =	ssyncadd.s32 $0xFFFFC000  }
0x39: {  	s29 =	simm.s32 $0x0;
	[bflag:$0x0] =	sbarrier.arrive $0xFFFF  }
0x3a: {  	[tilespmem:s29], [sflag:$0x5] =	stream.linear.gather [hbm4b:s10+s29], $0x1400, $0x38;
	[tilespmem:$0x1E800] =	vst v63  }
0x3b: {  	_ =	swait.ge [sflag:s17], $0x1400  }
0x3c: {  	[sflag:s17] =	ssyncset.done $0x0  }
0x3d: {  	[sflag:s17] =	ssyncadd.s32 $0xFFFFEC00  }
0x3e: {  	[tilespmem:s18], [sflag:$0x5] =	stream.linear.gather [hbm4b:s11+s29], $0x1400, $0x38;
	[tilespmem:$0x1E800] =	vst v63  }
0x3f: {  	_ =	swait.ge [sflag:s17], $0x1400  }
0x40: {  	[sflag:s17] =	ssyncset.done $0x0  }
0x41: {  	[sflag:s17] =	ssyncadd.s32 $0xFFFFEC00  }
0x42: {  	[tilespmem:s16], [sflag:$0x1] =	stream.indirect.gather [hbm4b:s1+s19], $0x80, s29, s19, $0xb8;
	[tilespmem:$0x1E800] =	vst v63  }
0x43: {  	_ = 	snop  }
0x44: {  	[tilespmem:s20], [sflag:$0x2] =	stream.indirect.gather [hbm4b:s1+s19], $0x80, s19, s19, $0xb8;
	[tilespmem:$0x1E800] =	vst v63  }
0x45: {  	_ =	swait.ge [sflag:s21], $0x4000  }
0x46: {  	[sflag:s21] =	ssyncset.done $0x0  }
0x47: {  	s29 =	simm.s32 $0x1400;
	[sflag:s21] =	ssyncadd.s32 $0xFFFFC000  }
0x48: {  	[spmem:s2] =	stream.indirect.scatter.add.f32 [tilespmem:s16], [sflag:$0x3], $0x80, s29, s19, $0xb8;
	[tilespmem:$0x1E800] =	vst v63  }
0x49: {  	_ =	swait.ge [sflag:s22], $0x4000  }
0x4a: {  	[sflag:s22] =	ssyncset.done $0x0  }
0x4b: {  	s29 =	simm.s32 $0x1480;
	[sflag:s22] =	ssyncadd.s32 $0xFFFFC000  }
0x4c: {  	[spmem:s2] =	stream.indirect.scatter.add.f32 [tilespmem:s20], [sflag:$0x4], $0x80, s29, s19, $0xb8;
	[tilespmem:$0x1E800] =	vst v63  }
0x4d: {  	_ =	swait.ge [sflag:s23], $0x4000  }
0x4e: {  	[sflag:s23] =	ssyncset.done $0x0  }
0x4f: {  	s29 =	simm.s32 $0x100;
	[sflag:s23] =	ssyncadd.s32 $0xFFFFC000  }
0x50: {  	[tilespmem:s16], [sflag:$0x1] =	stream.indirect.gather [hbm4b:s1+s19], $0x80, s29, s19, $0xb8;
	[tilespmem:$0x1E800] =	vst v63  }
0x51: {  	_ =	swait.ge [sflag:s24], $0x4000  }
0x52: {  	[sflag:s24] =	ssyncset.done $0x0  }
0x53: {  	s30 =	simm.s32 $0x180;
	s29 =	simm.s32 $0x400;
	[sflag:s24] =	ssyncadd.s32 $0xFFFFC000  }
.LBB2_4:
0x54: {  	[tilespmem:s20], [sflag:$0x2] =	stream.indirect.gather [hbm4b:s1+s19], $0x80, s30, s19, $0xb8;
	[tilespmem:$0x1E800] =	vst v63  }
0x55: {  	s30 =	smov.u32 s29  }
0x56: {  	p0 =	sne.s32 s29, $0x4800;
	s29 =	sadd.s32 $0x400, s29;
	_ =	swait.ge [sflag:s21], $0x4000  }
0x57: {  	s30 =	sshra.s32 s30, $0x2;
	[sflag:s21] =	ssyncset.done $0x0  }
0x58: {  	s31 =	sadd.s32 $0x1400, s30;
	[sflag:s21] =	ssyncadd.s32 $0xFFFFC000  }
0x59: {  	[spmem:s2] =	stream.indirect.scatter.add.f32 [tilespmem:s16], [sflag:$0x3], $0x80, s31, s19, $0xb8;
	[tilespmem:$0x1E800] =	vst v63  }
0x5a: {  	_ =	swait.ge [sflag:s22], $0x4000  }
0x5b: {  	[sflag:s22] =	ssyncset.done $0x0  }
0x5c: {  	s31 =	sadd.s32 $0x1480, s30;
	[sflag:s22] =	ssyncadd.s32 $0xFFFFC000  }
0x5d: {  	[spmem:s2] =	stream.indirect.scatter.add.f32 [tilespmem:s20], [sflag:$0x4], $0x80, s31, s19, $0xb8;
	[tilespmem:$0x1E800] =	vst v63  }
0x5e: {  	_ =	swait.ge [sflag:s23], $0x4000  }
0x5f: {  	[sflag:s23] =	ssyncset.done $0x0  }
.Ltmp1:
0x60: {  	s31 =	sadd.s32 $0x100, s30;
	[sflag:s23] =	ssyncadd.s32 $0xFFFFC000;
	(pc) =	sbr.rel @p0 .LBB2_4-.Ltmp1, $4  }
0x61: {  	[tilespmem:s16], [sflag:$0x1] =	stream.indirect.gather [hbm4b:s1+s19], $0x80, s31, s19, $0xb8;
	[tilespmem:$0x1E800] =	vst v63  }
0x62: {  	_ =	swait.ge [sflag:s24], $0x4000  }
0x63: {  	[sflag:s24] =	ssyncset.done $0x0  }
0x64: {  	s30 =	sadd.s32 $0x180, s30;
	[sflag:s24] =	ssyncadd.s32 $0xFFFFC000  }
0x65: {  	[tilespmem:s20], [sflag:$0x2] =	stream.indirect.gather [hbm4b:s1+s19], $0x80, s30, s19, $0xb8;
	[tilespmem:$0x1E800] =	vst v63  }
0x66: {  	_ =	swait.ge [sflag:s21], $0x4000  }
0x67: {  	[sflag:s21] =	ssyncset.done $0x0  }
0x68: {  	[sflag:s21] =	ssyncadd.s32 $0xFFFFC000  }
0x69: {  	[spmem:s2] =	stream.indirect.scatter.add.f32 [tilespmem:s16], [sflag:$0x3], $0x80, s25, s19, $0xb8;
	[tilespmem:$0x1E800] =	vst v63  }
0x6a: {  	_ =	swait.ge [sflag:s22], $0x4000  }
0x6b: {  	[sflag:s22] =	ssyncset.done $0x0  }
0x6c: {  	[sflag:s22] =	ssyncadd.s32 $0xFFFFC000  }
0x6d: {  	[spmem:s2] =	stream.indirect.scatter.add.f32 [tilespmem:s20], [sflag:$0x4], $0x80, s26, s19, $0xb8;
	[tilespmem:$0x1E800] =	vst v63  }
0x6e: {  	_ =	swait.ge [sflag:s23], $0x4000  }
0x6f: {  	[sflag:s23] =	ssyncset.done $0x0  }
0x70: {  	s29 =	simm.s32 $0x0;
	[sflag:s23] =	ssyncadd.s32 $0xFFFFC000  }
0x71: {  	[tilespmem:s16], [sflag:$0x1] =	stream.indirect.gather [hbm4b:s1+s19], $0x80, s29, s19, $0xb8;
	[tilespmem:$0x1E800] =	vst v63  }
0x72: {  	_ =	swait.ge [sflag:s24], $0x4000  }
0x73: {  	[sflag:s24] =	ssyncset.done $0x0  }
0x74: {  	[sflag:s24] =	ssyncadd.s32 $0xFFFFC000  }
0x75: {  	[tilespmem:s20], [sflag:$0x2] =	stream.indirect.gather [hbm4b:s1+s19], $0x80, s19, s19, $0xb8;
	[tilespmem:$0x1E800] =	vst v63  }
0x76: {  	_ =	swait.ge [sflag:s21], $0x4000  }
0x77: {  	[sflag:s21] =	ssyncset.done $0x0  }
0x78: {  	[sflag:s21] =	ssyncadd.s32 $0xFFFFC000  }
0x79: {  	_ =	swait.ge [sflag:s22], $0x4000  }
0x7a: {  	[sflag:s22] =	ssyncset.done $0x0  }
0x7b: {  	[sflag:s22] =	ssyncadd.s32 $0xFFFFC000  }
0x7c: {  	[tilespmem:s29], [sflag:$0x5] =	stream.linear.gather [hbm4b:s12+s29], $0x1400, $0x38;
	[tilespmem:$0x1E800] =	vst v63  }
0x7d: {  	_ =	swait.ge [sflag:s17], $0x1400  }
0x7e: {  	[sflag:s17] =	ssyncset.done $0x0  }
0x7f: {  	[sflag:s17] =	ssyncadd.s32 $0xFFFFEC00  }
0x80: {  	[tilespmem:s18], [sflag:$0x5] =	stream.linear.gather [hbm4b:s13+s29], $0x1400, $0x38;
	[tilespmem:$0x1E800] =	vst v63  }
0x81: {  	_ =	swait.ge [sflag:s17], $0x1400  }
0x82: {  	[sflag:s17] =	ssyncset.done $0x0  }
0x83: {  	[sflag:s17] =	ssyncadd.s32 $0xFFFFEC00  }
0x84: {  	[tilespmem:s16], [sflag:$0x1] =	stream.indirect.gather [hbm4b:s1+s19], $0x80, s29, s19, $0xb8;
	[tilespmem:$0x1E800] =	vst v63  }
0x85: {  	_ = 	snop  }
0x86: {  	[tilespmem:s20], [sflag:$0x2] =	stream.indirect.gather [hbm4b:s1+s19], $0x80, s19, s19, $0xb8;
	[tilespmem:$0x1E800] =	vst v63  }
0x87: {  	_ =	swait.ge [sflag:s21], $0x4000  }
0x88: {  	[sflag:s21] =	ssyncset.done $0x0  }
0x89: {  	s29 =	simm.s32 $0x1400;
	[sflag:s21] =	ssyncadd.s32 $0xFFFFC000  }
0x8a: {  	[spmem:s2] =	stream.indirect.scatter.add.f32 [tilespmem:s16], [sflag:$0x3], $0x80, s29, s19, $0xb8;
	[tilespmem:$0x1E800] =	vst v63  }
0x8b: {  	_ =	swait.ge [sflag:s22], $0x4000  }
0x8c: {  	[sflag:s22] =	ssyncset.done $0x0  }
0x8d: {  	s29 =	simm.s32 $0x1480;
	[sflag:s22] =	ssyncadd.s32 $0xFFFFC000  }
0x8e: {  	[spmem:s2] =	stream.indirect.scatter.add.f32 [tilespmem:s20], [sflag:$0x4], $0x80, s29, s19, $0xb8;
	[tilespmem:$0x1E800] =	vst v63  }
0x8f: {  	_ =	swait.ge [sflag:s23], $0x4000  }
0x90: {  	[sflag:s23] =	ssyncset.done $0x0  }
0x91: {  	s29 =	simm.s32 $0x100;
	[sflag:s23] =	ssyncadd.s32 $0xFFFFC000  }
0x92: {  	[tilespmem:s16], [sflag:$0x1] =	stream.indirect.gather [hbm4b:s1+s19], $0x80, s29, s19, $0xb8;
	[tilespmem:$0x1E800] =	vst v63  }
0x93: {  	_ =	swait.ge [sflag:s24], $0x4000  }
0x94: {  	[sflag:s24] =	ssyncset.done $0x0  }
0x95: {  	s30 =	simm.s32 $0x180;
	s29 =	simm.s32 $0x400;
	[sflag:s24] =	ssyncadd.s32 $0xFFFFC000  }
.LBB2_6:
0x96: {  	[tilespmem:s20], [sflag:$0x2] =	stream.indirect.gather [hbm4b:s1+s19], $0x80, s30, s19, $0xb8;
	[tilespmem:$0x1E800] =	vst v63  }
0x97: {  	s30 =	smov.u32 s29  }
0x98: {  	p0 =	sne.s32 s29, $0x4800;
	s29 =	sadd.s32 $0x400, s29;
	_ =	swait.ge [sflag:s21], $0x4000  }
0x99: {  	s30 =	sshra.s32 s30, $0x2;
	[sflag:s21] =	ssyncset.done $0x0  }
0x9a: {  	s31 =	sadd.s32 $0x1400, s30;
	[sflag:s21] =	ssyncadd.s32 $0xFFFFC000  }
0x9b: {  	[spmem:s2] =	stream.indirect.scatter.add.f32 [tilespmem:s16], [sflag:$0x3], $0x80, s31, s19, $0xb8;
	[tilespmem:$0x1E800] =	vst v63  }
0x9c: {  	_ =	swait.ge [sflag:s22], $0x4000  }
0x9d: {  	[sflag:s22] =	ssyncset.done $0x0  }
0x9e: {  	s31 =	sadd.s32 $0x1480, s30;
	[sflag:s22] =	ssyncadd.s32 $0xFFFFC000  }
0x9f: {  	[spmem:s2] =	stream.indirect.scatter.add.f32 [tilespmem:s20], [sflag:$0x4], $0x80, s31, s19, $0xb8;
	[tilespmem:$0x1E800] =	vst v63  }
0xa0: {  	_ =	swait.ge [sflag:s23], $0x4000  }
0xa1: {  	[sflag:s23] =	ssyncset.done $0x0  }
.Ltmp2:
0xa2: {  	s31 =	sadd.s32 $0x100, s30;
	[sflag:s23] =	ssyncadd.s32 $0xFFFFC000;
	(pc) =	sbr.rel @p0 .LBB2_6-.Ltmp2, $4  }
0xa3: {  	[tilespmem:s16], [sflag:$0x1] =	stream.indirect.gather [hbm4b:s1+s19], $0x80, s31, s19, $0xb8;
	[tilespmem:$0x1E800] =	vst v63  }
0xa4: {  	_ =	swait.ge [sflag:s24], $0x4000  }
0xa5: {  	[sflag:s24] =	ssyncset.done $0x0  }
0xa6: {  	s30 =	sadd.s32 $0x180, s30;
	[sflag:s24] =	ssyncadd.s32 $0xFFFFC000  }
0xa7: {  	[tilespmem:s20], [sflag:$0x2] =	stream.indirect.gather [hbm4b:s1+s19], $0x80, s30, s19, $0xb8;
	[tilespmem:$0x1E800] =	vst v63  }
0xa8: {  	_ =	swait.ge [sflag:s21], $0x4000  }
0xa9: {  	[sflag:s21] =	ssyncset.done $0x0  }
0xaa: {  	[sflag:s21] =	ssyncadd.s32 $0xFFFFC000  }
0xab: {  	[spmem:s2] =	stream.indirect.scatter.add.f32 [tilespmem:s16], [sflag:$0x3], $0x80, s25, s19, $0xb8;
	[tilespmem:$0x1E800] =	vst v63  }
0xac: {  	_ =	swait.ge [sflag:s22], $0x4000  }
0xad: {  	[sflag:s22] =	ssyncset.done $0x0  }
0xae: {  	[sflag:s22] =	ssyncadd.s32 $0xFFFFC000  }
0xaf: {  	[spmem:s2] =	stream.indirect.scatter.add.f32 [tilespmem:s20], [sflag:$0x4], $0x80, s26, s19, $0xb8;
	[tilespmem:$0x1E800] =	vst v63  }
0xb0: {  	_ =	swait.ge [sflag:s23], $0x4000  }
0xb1: {  	[sflag:s23] =	ssyncset.done $0x0  }
0xb2: {  	[sflag:s23] =	ssyncadd.s32 $0xFFFFC000  }
0xb3: {  	[tilespmem:s16], [sflag:$0x1] =	stream.indirect.gather [hbm4b:s1+s19], $0x80, s4, s19, $0xb8;
	[tilespmem:$0x1E800] =	vst v63  }
0xb4: {  	_ =	swait.ge [sflag:s24], $0x4000  }
0xb5: {  	[sflag:s24] =	ssyncset.done $0x0  }
0xb6: {  	[sflag:s24] =	ssyncadd.s32 $0xFFFFC000  }
0xb7: {  	[tilespmem:s20], [sflag:$0x2] =	stream.indirect.gather [hbm4b:s1+s19], $0x80, s19, s19, $0xb8;
	[tilespmem:$0x1E800] =	vst v63  }
0xb8: {  	_ =	swait.ge [sflag:s21], $0x4000  }
0xb9: {  	[sflag:s21] =	ssyncset.done $0x0  }
0xba: {  	[sflag:s21] =	ssyncadd.s32 $0xFFFFC000  }
0xbb: {  	_ =	swait.ge [sflag:s22], $0x4000  }
0xbc: {  	s29 =	sshll.u32 s3, $0x6;
	s28 =	sadd.s32 $0x1, s28;
	[sflag:s22] =	ssyncset.done $0x0  }
0xbd: {  	s31 =	sshrl.u32 s5, $0x3;
	p0 =	sne.s32 s28, s15;
	[sflag:s22] =	ssyncadd.s32 $0xFFFFC000  }
.Ltmp3:
0xbe: {  	s29 =	sor.u32 $0x1C05, s29;
	[bflag:$0x0] =	sbarrier.arrive $0xFFFF;
	(pc) =	sbr.rel @p0 .LBB2_1-.Ltmp3, $4  }
0xbf: {  	[hbm:s14], [sflag:s29] =	dma.local [spmem:s31], $0x2800  }
0xc0: {  	_ =	swait.ge [sflag:s17], $0x2800  }
0xc1: {  	[sflag:s17] =	ssyncset.done $0x0  }
0xc2: {  	[sflag:s17] =	ssyncadd.s32 $0xFFFFD800  }
0xc3: {  	_ =	sfence.sel $0x180000  }
0xc4: {  	[bflag:$0x0] =	sbarrier.arrive $0xFFFF  }
0xc5: {  	p0 =	sne.s32 s3, $0x0;
	_ =	strace $0x9000004A  }
0xc6: {  	s0 =	sadd.s32 @!p0 $0x100000, s0;
	[bflag:$0x2] =	sbarrier.arrive $0xFFFF  }
0xc7: {  	[sflag:s0] =	ssyncadd.tile.s32 @!p0 $0x1;
	_ =	shalt  }
.Lfunc_end2:
_tile_overlayer_lowered:
.L_overlay_start_2:
0xc8: {  	(tag) =	ssettag $0x2  }
0xc9: {  	s0 =	rddreg [dreg:$0x0];
	s2 =	stileid.u32  }
0xca: {  	s1 =	rddreg [dreg:$0x1];
	p0 =	sne.s32 s2, $0x0  }
0xcb: {  	s3 =	rddreg [dreg:$0x2];
	[bflag:$0x3] =	sbarrier.arrive $0xFFFF;
	s2 =	simm.s32 @!p0 $0x1C05  }
0xcc: {  	[timem:s3], [sflag:s2] =	dma.local @!p0 [hbm:s0], s1  }
0xcd: {  	s0 =	simm.s32 @!p0 $0x5  }
0xce: {  	_ =	swait.ge @!p0 [sflag:s0], s1  }
0xcf: {  	s1 =	ssub.s32 @!p0 $0x0, s1;
	[sflag:s0] =	ssyncset.done @!p0 $0x0  }
0xd0: {  	[sflag:s0] =	ssyncadd.s32 @!p0 s1  }
0xd1: {  	[bflag:$0x3] =	sbarrier.arrive $0xFFFF  }
0xd2: {  	_ =	shalt  }

</sc_bundles>
